<compile_context>
chip_gen: v7x
topology: tpu7x:2x2x1
jax: 0.10.2.dev20260603
libtpu: 0.0.44.dev20260713+nightly
codegen_flags: <defaults>
</compile_context>

<pallas_src>
import functools

import jax
import jax.numpy as jnp
from jax import lax
from jax.experimental import pallas as pl
from jax.experimental.pallas import tpu as pltpu
from jax.experimental.pallas import tpu_sc as plsc

_B, _L, _NUM_PIDS = 128, 4096, 256
_EPS = 1e-06
_LANES = 16
_NC, _NS = 2, 16
_NW = _NC * _NS
_ROWS_PER_W = _B // _NW
_ROW_CHUNKS = _L // _LANES
_TAB = _ROWS_PER_W * _NUM_PIDS
_TAB_CHUNKS = _TAB // _LANES


def _sc_partials(yhat, y, pm):
    mesh = plsc.VectorSubcoreMesh(core_axis_name="c", subcore_axis_name="s")

    @functools.partial(
        pl.kernel,
        mesh=mesh,
        out_type=jax.ShapeDtypeStruct((_NC, _LANES), jnp.float32),
        compiler_params=pltpu.CompilerParams(needs_layout_passes=False),
        scratch_types=[
            pltpu.VMEM((_ROWS_PER_W, _L), jnp.float32),
            pltpu.VMEM((_ROWS_PER_W, _L), jnp.float32),
            pltpu.VMEM((_ROWS_PER_W, _L), jnp.int32),
            pltpu.VMEM((_TAB,), jnp.float32),
            pltpu.VMEM((_TAB,), jnp.float32),
            pltpu.VMEM((_LANES,), jnp.float32),
            pltpu.VMEM((_LANES,), jnp.float32),
            pltpu.VMEM((_NS * _LANES,), jnp.float32),
            pltpu.VMEM((_NS * _LANES,), jnp.float32),
            pltpu.VMEM_SHARED((_NS * _LANES,), jnp.float32),
            pltpu.VMEM_SHARED((_NS * _LANES,), jnp.float32),
            pltpu.SemaphoreType.DMA,
        ],
    )
    def k(yhat_hbm, y_hbm, pm_hbm, out_hbm,
          yh_v, yy_v, pm_v, pred_t, true_t, st_sq, st_cnt,
          all_sq, all_cnt, sh_sq, sh_cnt, sem):
        cid = lax.axis_index("c")
        sid = lax.axis_index("s")
        wid = cid * _NS + sid
        row0 = wid * _ROWS_PER_W

        zero16 = jnp.zeros((_LANES,), jnp.float32)

        cp_yh = pltpu.async_copy(yhat_hbm.at[pl.ds(row0, _ROWS_PER_W)],
                                 yh_v, sem)
        cp_yy = pltpu.async_copy(y_hbm.at[pl.ds(row0, _ROWS_PER_W)],
                                 yy_v, sem)
        cp_pm = pltpu.async_copy(pm_hbm.at[pl.ds(row0, _ROWS_PER_W)],
                                 pm_v, sem)

        @plsc.parallel_loop(0, _TAB_CHUNKS, unroll=8)
        def _(i):
            pred_t[pl.ds(i * _LANES, _LANES)] = zero16
            true_t[pl.ds(i * _LANES, _LANES)] = zero16

        cp_yh.wait()
        cp_yy.wait()
        cp_pm.wait()

        for r in range(_ROWS_PER_W):
            pred_r = pred_t.at[pl.ds(r * _NUM_PIDS, _NUM_PIDS)]
            true_r = true_t.at[pl.ds(r * _NUM_PIDS, _NUM_PIDS)]

            @plsc.parallel_loop(0, _ROW_CHUNKS, unroll=32)
            def _(i):
                b = i * _LANES
                ph = pm_v[r, pl.ds(b, _LANES)]
                plsc.addupdate_scatter(pred_r, [ph], yh_v[r, pl.ds(b, _LANES)])
                plsc.addupdate_scatter(true_r, [ph], yy_v[r, pl.ds(b, _LANES)])

        @plsc.parallel_loop(0, _TAB_CHUNKS, unroll=16, carry=(zero16, zero16))
        def accs(i, carry):
            a_sq, a_cnt = carry
            b = i * _LANES
            ps = pred_t[pl.ds(b, _LANES)]
            ts = true_t[pl.ds(b, _LANES)]
            valid = ts > 0.0
            diff = jnp.where(valid, ps - ts, 0.0)
            return (a_sq + diff * diff,
                    a_cnt + jnp.where(valid, 1.0, 0.0))

        acc_sq, acc_cnt = accs

        st_sq[...] = acc_sq
        st_cnt[...] = acc_cnt
        pltpu.sync_copy(st_sq, sh_sq.at[pl.ds(sid * _LANES, _LANES)])
        pltpu.sync_copy(st_cnt, sh_cnt.at[pl.ds(sid * _LANES, _LANES)])
        plsc.subcore_barrier()

        @pl.when(sid == 0)
        def _():
            pltpu.sync_copy(sh_sq, all_sq)
            pltpu.sync_copy(sh_cnt, all_cnt)

            @plsc.parallel_loop(0, _NS, unroll=4, carry=(zero16, zero16))
            def red(i, carry):
                a_sq, a_cnt = carry
                b = i * _LANES
                return (a_sq + all_sq[pl.ds(b, _LANES)],
                        a_cnt + all_cnt[pl.ds(b, _LANES)])

            v_sq, v_cnt = red
            lanes = lax.broadcasted_iota(jnp.int32, (_LANES,), 0)
            out_vec = (jnp.where(lanes == 0, jnp.sum(v_sq), 0.0)
                       + jnp.where(lanes == 1, jnp.sum(v_cnt), 0.0))
            st_sq[...] = out_vec
            pltpu.sync_copy(st_sq, out_hbm.at[cid])

    return k(yhat, y, pm)


def kernel(yhat, y, plot_mask):
    yhat = jnp.squeeze(yhat).astype(jnp.float32)
    y = jnp.squeeze(y).astype(jnp.float32)
    pm = jnp.squeeze(plot_mask).astype(jnp.int32)
    parts = _sc_partials(yhat, y, pm)
    total_sq = parts[0, 0] + parts[1, 0]
    total_cnt = jnp.maximum(parts[0, 1] + parts[1, 1], 1.0)
    return jnp.sqrt(total_sq / total_cnt + _EPS)

# --- scband reference (transcript-rebuilt; emitter-appended) ---
"""Pipeline reference for scband-rmseloss-39273180954721 (READ-ONLY COPY).

The authoritative reference and input builder live on the scoring server;
editing this copy changes nothing except your own understanding.
"""

import jax, jax.numpy as jnp
import numpy as np

B, L, NUM_PIDS = 128, 4096, 256
EPS = 1e-06
IGNORE_INDEX = -999


def setup_inputs(seed: int = 0) -> dict:
    key = jax.random.key(seed)
    k1, k2, k3 = jax.random.split(key, 3)
    yhat = jax.random.uniform(k1, (B, L), dtype=jnp.float32)
    y = jax.random.uniform(k2, (B, L), dtype=jnp.float32)
    plot_mask = jax.random.randint(k3, (B, L), 0, NUM_PIDS, dtype=jnp.int32)
    return {"yhat": yhat, "y": y, "plot_mask": plot_mask}


def reference(yhat, y, plot_mask):
    # get_combined_yield: per (batch row, pid) sums of pred and true, keeping
    # only segments whose true-sum > 0 and pid != -999 (randint pids are >= 0,
    # so the pid filter is vacuous here). The per-row python loops collapse to
    # a single segment_sum over combined segment ids.
    yhat_s = jnp.squeeze(yhat)
    y_s = jnp.squeeze(y)
    pm = jnp.squeeze(plot_mask)
    seg = (jnp.arange(B, dtype=pm.dtype)[:, None] * NUM_PIDS + pm).reshape(-1)
    n_seg = B * NUM_PIDS
    pred_sums = jax.ops.segment_sum(yhat_s.reshape(-1), seg, num_segments=n_seg)
    true_sums = jax.ops.segment_sum(y_s.reshape(-1), seg, num_segments=n_seg)
    # segment kept if sum(y_true over segment) > 0; then RMSELoss drops entries
    # where the combined y equals ignore_index
    valid = (true_sums > 0) & (true_sums != IGNORE_INDEX)
    diff = jnp.where(valid, pred_sums - true_sums, 0.0)
    count = jnp.maximum(jnp.sum(valid.astype(jnp.float32)), 1.0)
    mse = jnp.sum(diff * diff) / count
    loss = jnp.sqrt(mse + EPS)
    return loss

if __name__ == "__main__":
    import jax
    _d = setup_inputs()
    print(jax.jit(kernel)(*tuple(_d.values())))

</pallas_src>

<mosaic_0001>
#map = affine_map<(d0, d1) -> (0, 0)>
module attributes {stable_mosaic.version = 14 : i64} {
  func.func @k(%arg0: i32, %arg1: i32, %arg2: memref<128x4096xf32, #tpu.memory_space<hbm>>, %arg3: memref<128x4096xf32, #tpu.memory_space<hbm>>, %arg4: memref<128x4096xi32, #tpu.memory_space<hbm>>, %arg5: memref<2x16xf32, #tpu.memory_space<hbm>>, %arg6: memref<4x4096xf32, #tpu.memory_space<vmem>>, %arg7: memref<4x4096xf32, #tpu.memory_space<vmem>>, %arg8: memref<4x4096xi32, #tpu.memory_space<vmem>>, %arg9: memref<1024xf32, #tpu.memory_space<vmem>>, %arg10: memref<1024xf32, #tpu.memory_space<vmem>>, %arg11: memref<16xf32, #tpu.memory_space<vmem>>, %arg12: memref<16xf32, #tpu.memory_space<vmem>>, %arg13: memref<256xf32, #tpu.memory_space<vmem>>, %arg14: memref<256xf32, #tpu.memory_space<vmem>>, %arg15: memref<256xf32, #tpu.memory_space<vmem_shared>>, %arg16: memref<256xf32, #tpu.memory_space<vmem_shared>>, %arg17: memref<!tpu.dma_semaphore, #tpu.memory_space<semaphore_mem>>) attributes {dimension_semantics = [#tpu.dimension_semantics<core_parallel>, #tpu.dimension_semantics<subcore_parallel>], iteration_bounds = array<i64: 2, 16>, scalar_prefetch = 0 : i64, scratch_operands = 12 : i64, tpu.core_type = #tpu.core_type<sc_vector_subcore>, window_params = [{transform_indices = #map}, {transform_indices = #map}, {transform_indices = #map}, {transform_indices = #map}]} {
    %mul3A = arith.constant 16 : i32
    %mul3A_0 = arith.muli %arg0, %mul3A : i32
    %add3A = arith.addi %mul3A_0, %arg1 : i32
    %mul3A_1 = arith.constant 4 : i32
    %mul3A_2 = arith.muli %add3A, %mul3A_1 : i32
    %broadcast_in_dim3A = arith.constant 0.000000e+00 : f32
    %broadcast_in_dim3A_3 = vector.broadcast %broadcast_in_dim3A : f32 to vector<16xf32>
    %dma_start3A = arith.constant 0 : i32
    %dma_start3A_4 = tpu.memref_slice %arg2[%mul3A_2, %dma_start3A] : memref<128x4096xf32, #tpu.memory_space<hbm>> -> memref<4x4096xf32, #tpu.memory_space<hbm>>
    %dma_start3A_5 = arith.constant 0 : i32
    %dma_start3A_6 = tpu.memref_slice %arg2[%mul3A_2, %dma_start3A_5] : memref<128x4096xf32, #tpu.memory_space<hbm>> -> memref<4x4096xf32, #tpu.memory_space<hbm>>
    tpu.enqueue_dma source(%dma_start3A_6 : memref<4x4096xf32, #tpu.memory_space<hbm>>) target(%arg6 : memref<4x4096xf32, #tpu.memory_space<vmem>>) target_semaphore(%arg17 : memref<!tpu.dma_semaphore, #tpu.memory_space<semaphore_mem>>)
    %dma_start3A_7 = arith.constant 0 : i32
    %dma_start3A_8 = tpu.memref_slice %arg3[%mul3A_2, %dma_start3A_7] : memref<128x4096xf32, #tpu.memory_space<hbm>> -> memref<4x4096xf32, #tpu.memory_space<hbm>>
    %dma_start3A_9 = arith.constant 0 : i32
    %dma_start3A_10 = tpu.memref_slice %arg3[%mul3A_2, %dma_start3A_9] : memref<128x4096xf32, #tpu.memory_space<hbm>> -> memref<4x4096xf32, #tpu.memory_space<hbm>>
    tpu.enqueue_dma source(%dma_start3A_10 : memref<4x4096xf32, #tpu.memory_space<hbm>>) target(%arg7 : memref<4x4096xf32, #tpu.memory_space<vmem>>) target_semaphore(%arg17 : memref<!tpu.dma_semaphore, #tpu.memory_space<semaphore_mem>>)
    %dma_start3A_11 = arith.constant 0 : i32
    %dma_start3A_12 = tpu.memref_slice %arg4[%mul3A_2, %dma_start3A_11] : memref<128x4096xi32, #tpu.memory_space<hbm>> -> memref<4x4096xi32, #tpu.memory_space<hbm>>
    %dma_start3A_13 = arith.constant 0 : i32
    %dma_start3A_14 = tpu.memref_slice %arg4[%mul3A_2, %dma_start3A_13] : memref<128x4096xi32, #tpu.memory_space<hbm>> -> memref<4x4096xi32, #tpu.memory_space<hbm>>
    tpu.enqueue_dma source(%dma_start3A_14 : memref<4x4096xi32, #tpu.memory_space<hbm>>) target(%arg8 : memref<4x4096xi32, #tpu.memory_space<vmem>>) target_semaphore(%arg17 : memref<!tpu.dma_semaphore, #tpu.memory_space<semaphore_mem>>)
    %parallel_loop3A = arith.constant 0 : i32
    %parallel_loop3A_15 = arith.constant 64 : i32
    %parallel_loop3A_16 = arith.constant 1 : i32
    scf.for %parallel_loop3A_53 = %parallel_loop3A to %parallel_loop3A_15 step %parallel_loop3A_16  : i32 {
      %parallel_loop3A_54 = arith.constant 16 : i32
      %parallel_loop3A_55 = arith.muli %parallel_loop3A_53, %parallel_loop3A_54 : i32
      %parallel_loop3A_56 = arith.index_cast %parallel_loop3A_55 : i32 to index
      %parallel_loop3A_57 = tpu.vector_load %arg9[%parallel_loop3A_56] {strides = array<i32>} : memref<1024xf32, #tpu.memory_space<vmem>>, vector<16xf32>,
      tpu.vector_store %arg9[%parallel_loop3A_56], %broadcast_in_dim3A_3 {strides = array<i32>} : memref<1024xf32, #tpu.memory_space<vmem>>, vector<16xf32>,
      %parallel_loop3A_58 = arith.constant 16 : i32
      %parallel_loop3A_59 = arith.muli %parallel_loop3A_53, %parallel_loop3A_58 : i32
      %parallel_loop3A_60 = arith.index_cast %parallel_loop3A_59 : i32 to index
      %parallel_loop3A_61 = tpu.vector_load %arg10[%parallel_loop3A_60] {strides = array<i32>} : memref<1024xf32, #tpu.memory_space<vmem>>, vector<16xf32>,
      tpu.vector_store %arg10[%parallel_loop3A_60], %broadcast_in_dim3A_3 {strides = array<i32>} : memref<1024xf32, #tpu.memory_space<vmem>>, vector<16xf32>,
    } {sc.loop_unroll_factor = 8 : i64, sc.parallel_access}
    %dma_wait3A = arith.constant 0 : i32
    %dma_wait3A_17 = tpu.memref_slice %arg2[%mul3A_2, %dma_wait3A] : memref<128x4096xf32, #tpu.memory_space<hbm>> -> memref<4x4096xf32, #tpu.memory_space<hbm>>
    %dma_wait3A_18 = arith.constant 0 : i32
    %dma_wait3A_19 = tpu.memref_slice %arg2[%mul3A_2, %dma_wait3A_18] : memref<128x4096xf32, #tpu.memory_space<hbm>> -> memref<4x4096xf32, #tpu.memory_space<hbm>>
    tpu.wait_dma2 semaphore(%arg17 : memref<!tpu.dma_semaphore, #tpu.memory_space<semaphore_mem>>) src(%dma_wait3A_19 : memref<4x4096xf32, #tpu.memory_space<hbm>>) dst(%arg6 : memref<4x4096xf32, #tpu.memory_space<vmem>>)
    %dma_wait3A_20 = arith.constant 0 : i32
    %dma_wait3A_21 = tpu.memref_slice %arg3[%mul3A_2, %dma_wait3A_20] : memref<128x4096xf32, #tpu.memory_space<hbm>> -> memref<4x4096xf32, #tpu.memory_space<hbm>>
    %dma_wait3A_22 = arith.constant 0 : i32
    %dma_wait3A_23 = tpu.memref_slice %arg3[%mul3A_2, %dma_wait3A_22] : memref<128x4096xf32, #tpu.memory_space<hbm>> -> memref<4x4096xf32, #tpu.memory_space<hbm>>
    tpu.wait_dma2 semaphore(%arg17 : memref<!tpu.dma_semaphore, #tpu.memory_space<semaphore_mem>>) src(%dma_wait3A_23 : memref<4x4096xf32, #tpu.memory_space<hbm>>) dst(%arg7 : memref<4x4096xf32, #tpu.memory_space<vmem>>)
    %dma_wait3A_24 = arith.constant 0 : i32
    %dma_wait3A_25 = tpu.memref_slice %arg4[%mul3A_2, %dma_wait3A_24] : memref<128x4096xi32, #tpu.memory_space<hbm>> -> memref<4x4096xi32, #tpu.memory_space<hbm>>
    %dma_wait3A_26 = arith.constant 0 : i32
    %dma_wait3A_27 = tpu.memref_slice %arg4[%mul3A_2, %dma_wait3A_26] : memref<128x4096xi32, #tpu.memory_space<hbm>> -> memref<4x4096xi32, #tpu.memory_space<hbm>>
    tpu.wait_dma2 semaphore(%arg17 : memref<!tpu.dma_semaphore, #tpu.memory_space<semaphore_mem>>) src(%dma_wait3A_27 : memref<4x4096xi32, #tpu.memory_space<hbm>>) dst(%arg8 : memref<4x4096xi32, #tpu.memory_space<vmem>>)
    %parallel_loop3A_28 = arith.constant 0 : i32
    %parallel_loop3A_29 = arith.constant 256 : i32
    %parallel_loop3A_30 = arith.constant 1 : i32
    scf.for %parallel_loop3A_53 = %parallel_loop3A_28 to %parallel_loop3A_29 step %parallel_loop3A_30  : i32 {
      %parallel_loop3A_54 = arith.constant 16 : i32
      %parallel_loop3A_55 = arith.muli %parallel_loop3A_53, %parallel_loop3A_54 : i32
      %parallel_loop3A_56 = arith.constant 0 : i32
      %parallel_loop3A_57 = arith.index_cast %parallel_loop3A_56 : i32 to index
      %parallel_loop3A_58 = arith.index_cast %parallel_loop3A_55 : i32 to index
      %parallel_loop3A_59 = tpu.vector_load %arg8[%parallel_loop3A_57, %parallel_loop3A_58] {strides = array<i32>} : memref<4x4096xi32, #tpu.memory_space<vmem>>, vector<16xi32>,
      %parallel_loop3A_60 = arith.constant 0 : i32
      %parallel_loop3A_61 = arith.index_cast %parallel_loop3A_60 : i32 to index
      %parallel_loop3A_62 = arith.index_cast %parallel_loop3A_55 : i32 to index
      %parallel_loop3A_63 = tpu.vector_load %arg6[%parallel_loop3A_61, %parallel_loop3A_62] {strides = array<i32>} : memref<4x4096xf32, #tpu.memory_space<vmem>>, vector<16xf32>,
      %parallel_loop3A_64 = arith.constant 0 : i32
      %parallel_loop3A_65 = tpu.memref_slice %arg9[%parallel_loop3A_64] : memref<1024xf32, #tpu.memory_space<vmem>> -> memref<256xf32, #tpu.memory_space<vmem>>
      tpu.vector_store_idx %parallel_loop3A_65[%parallel_loop3A_59], %parallel_loop3A_63 {add = true} : memref<256xf32, #tpu.memory_space<vmem>>[vector<16xi32>], vector<16xf32>,
      %parallel_loop3A_66 = arith.constant 0 : i32
      %parallel_loop3A_67 = arith.index_cast %parallel_loop3A_66 : i32 to index
      %parallel_loop3A_68 = arith.index_cast %parallel_loop3A_55 : i32 to index
      %parallel_loop3A_69 = tpu.vector_load %arg7[%parallel_loop3A_67, %parallel_loop3A_68] {strides = array<i32>} : memref<4x4096xf32, #tpu.memory_space<vmem>>, vector<16xf32>,
      %parallel_loop3A_70 = arith.constant 0 : i32
      %parallel_loop3A_71 = tpu.memref_slice %arg10[%parallel_loop3A_70] : memref<1024xf32, #tpu.memory_space<vmem>> -> memref<256xf32, #tpu.memory_space<vmem>>
      tpu.vector_store_idx %parallel_loop3A_71[%parallel_loop3A_59], %parallel_loop3A_69 {add = true} : memref<256xf32, #tpu.memory_space<vmem>>[vector<16xi32>], vector<16xf32>,
    } {sc.loop_unroll_factor = 32 : i64, sc.parallel_access}
    %parallel_loop3A_31 = arith.constant 0 : i32
    %parallel_loop3A_32 = arith.constant 256 : i32
    %parallel_loop3A_33 = arith.constant 1 : i32
    scf.for %parallel_loop3A_53 = %parallel_loop3A_31 to %parallel_loop3A_32 step %parallel_loop3A_33  : i32 {
      %parallel_loop3A_54 = arith.constant 16 : i32
      %parallel_loop3A_55 = arith.muli %parallel_loop3A_53, %parallel_loop3A_54 : i32
      %parallel_loop3A_56 = arith.constant 1 : i32
      %parallel_loop3A_57 = arith.index_cast %parallel_loop3A_56 : i32 to index
      %parallel_loop3A_58 = arith.index_cast %parallel_loop3A_55 : i32 to index
      %parallel_loop3A_59 = tpu.vector_load %arg8[%parallel_loop3A_57, %parallel_loop3A_58] {strides = array<i32>} : memref<4x4096xi32, #tpu.memory_space<vmem>>, vector<16xi32>,
      %parallel_loop3A_60 = arith.constant 1 : i32
      %parallel_loop3A_61 = arith.index_cast %parallel_loop3A_60 : i32 to index
      %parallel_loop3A_62 = arith.index_cast %parallel_loop3A_55 : i32 to index
      %parallel_loop3A_63 = tpu.vector_load %arg6[%parallel_loop3A_61, %parallel_loop3A_62] {strides = array<i32>} : memref<4x4096xf32, #tpu.memory_space<vmem>>, vector<16xf32>,
      %parallel_loop3A_64 = arith.constant 256 : i32
      %parallel_loop3A_65 = tpu.memref_slice %arg9[%parallel_loop3A_64] : memref<1024xf32, #tpu.memory_space<vmem>> -> memref<256xf32, #tpu.memory_space<vmem>>
      tpu.vector_store_idx %parallel_loop3A_65[%parallel_loop3A_59], %parallel_loop3A_63 {add = true} : memref<256xf32, #tpu.memory_space<vmem>>[vector<16xi32>], vector<16xf32>,
      %parallel_loop3A_66 = arith.constant 1 : i32
      %parallel_loop3A_67 = arith.index_cast %parallel_loop3A_66 : i32 to index
      %parallel_loop3A_68 = arith.index_cast %parallel_loop3A_55 : i32 to index
      %parallel_loop3A_69 = tpu.vector_load %arg7[%parallel_loop3A_67, %parallel_loop3A_68] {strides = array<i32>} : memref<4x4096xf32, #tpu.memory_space<vmem>>, vector<16xf32>,
      %parallel_loop3A_70 = arith.constant 256 : i32
      %parallel_loop3A_71 = tpu.memref_slice %arg10[%parallel_loop3A_70] : memref<1024xf32, #tpu.memory_space<vmem>> -> memref<256xf32, #tpu.memory_space<vmem>>
      tpu.vector_store_idx %parallel_loop3A_71[%parallel_loop3A_59], %parallel_loop3A_69 {add = true} : memref<256xf32, #tpu.memory_space<vmem>>[vector<16xi32>], vector<16xf32>,
    } {sc.loop_unroll_factor = 32 : i64, sc.parallel_access}
    %parallel_loop3A_34 = arith.constant 0 : i32
    %parallel_loop3A_35 = arith.constant 256 : i32
    %parallel_loop3A_36 = arith.constant 1 : i32
    scf.for %parallel_loop3A_53 = %parallel_loop3A_34 to %parallel_loop3A_35 step %parallel_loop3A_36  : i32 {
      %parallel_loop3A_54 = arith.constant 16 : i32
      %parallel_loop3A_55 = arith.muli %parallel_loop3A_53, %parallel_loop3A_54 : i32
      %parallel_loop3A_56 = arith.constant 2 : i32
      %parallel_loop3A_57 = arith.index_cast %parallel_loop3A_56 : i32 to index
      %parallel_loop3A_58 = arith.index_cast %parallel_loop3A_55 : i32 to index
      %parallel_loop3A_59 = tpu.vector_load %arg8[%parallel_loop3A_57, %parallel_loop3A_58] {strides = array<i32>} : memref<4x4096xi32, #tpu.memory_space<vmem>>, vector<16xi32>,
      %parallel_loop3A_60 = arith.constant 2 : i32
      %parallel_loop3A_61 = arith.index_cast %parallel_loop3A_60 : i32 to index
      %parallel_loop3A_62 = arith.index_cast %parallel_loop3A_55 : i32 to index
      %parallel_loop3A_63 = tpu.vector_load %arg6[%parallel_loop3A_61, %parallel_loop3A_62] {strides = array<i32>} : memref<4x4096xf32, #tpu.memory_space<vmem>>, vector<16xf32>,
      %parallel_loop3A_64 = arith.constant 512 : i32
      %parallel_loop3A_65 = tpu.memref_slice %arg9[%parallel_loop3A_64] : memref<1024xf32, #tpu.memory_space<vmem>> -> memref<256xf32, #tpu.memory_space<vmem>>
      tpu.vector_store_idx %parallel_loop3A_65[%parallel_loop3A_59], %parallel_loop3A_63 {add = true} : memref<256xf32, #tpu.memory_space<vmem>>[vector<16xi32>], vector<16xf32>,
      %parallel_loop3A_66 = arith.constant 2 : i32
      %parallel_loop3A_67 = arith.index_cast %parallel_loop3A_66 : i32 to index
      %parallel_loop3A_68 = arith.index_cast %parallel_loop3A_55 : i32 to index
      %parallel_loop3A_69 = tpu.vector_load %arg7[%parallel_loop3A_67, %parallel_loop3A_68] {strides = array<i32>} : memref<4x4096xf32, #tpu.memory_space<vmem>>, vector<16xf32>,
      %parallel_loop3A_70 = arith.constant 512 : i32
      %parallel_loop3A_71 = tpu.memref_slice %arg10[%parallel_loop3A_70] : memref<1024xf32, #tpu.memory_space<vmem>> -> memref<256xf32, #tpu.memory_space<vmem>>
      tpu.vector_store_idx %parallel_loop3A_71[%parallel_loop3A_59], %parallel_loop3A_69 {add = true} : memref<256xf32, #tpu.memory_space<vmem>>[vector<16xi32>], vector<16xf32>,
    } {sc.loop_unroll_factor = 32 : i64, sc.parallel_access}
    %parallel_loop3A_37 = arith.constant 0 : i32
    %parallel_loop3A_38 = arith.constant 256 : i32
    %parallel_loop3A_39 = arith.constant 1 : i32
    scf.for %parallel_loop3A_53 = %parallel_loop3A_37 to %parallel_loop3A_38 step %parallel_loop3A_39  : i32 {
      %parallel_loop3A_54 = arith.constant 16 : i32
      %parallel_loop3A_55 = arith.muli %parallel_loop3A_53, %parallel_loop3A_54 : i32
      %parallel_loop3A_56 = arith.constant 3 : i32
      %parallel_loop3A_57 = arith.index_cast %parallel_loop3A_56 : i32 to index
      %parallel_loop3A_58 = arith.index_cast %parallel_loop3A_55 : i32 to index
      %parallel_loop3A_59 = tpu.vector_load %arg8[%parallel_loop3A_57, %parallel_loop3A_58] {strides = array<i32>} : memref<4x4096xi32, #tpu.memory_space<vmem>>, vector<16xi32>,
      %parallel_loop3A_60 = arith.constant 3 : i32
      %parallel_loop3A_61 = arith.index_cast %parallel_loop3A_60 : i32 to index
      %parallel_loop3A_62 = arith.index_cast %parallel_loop3A_55 : i32 to index
      %parallel_loop3A_63 = tpu.vector_load %arg6[%parallel_loop3A_61, %parallel_loop3A_62] {strides = array<i32>} : memref<4x4096xf32, #tpu.memory_space<vmem>>, vector<16xf32>,
      %parallel_loop3A_64 = arith.constant 768 : i32
      %parallel_loop3A_65 = tpu.memref_slice %arg9[%parallel_loop3A_64] : memref<1024xf32, #tpu.memory_space<vmem>> -> memref<256xf32, #tpu.memory_space<vmem>>
      tpu.vector_store_idx %parallel_loop3A_65[%parallel_loop3A_59], %parallel_loop3A_63 {add = true} : memref<256xf32, #tpu.memory_space<vmem>>[vector<16xi32>], vector<16xf32>,
      %parallel_loop3A_66 = arith.constant 3 : i32
      %parallel_loop3A_67 = arith.index_cast %parallel_loop3A_66 : i32 to index
      %parallel_loop3A_68 = arith.index_cast %parallel_loop3A_55 : i32 to index
      %parallel_loop3A_69 = tpu.vector_load %arg7[%parallel_loop3A_67, %parallel_loop3A_68] {strides = array<i32>} : memref<4x4096xf32, #tpu.memory_space<vmem>>, vector<16xf32>,
      %parallel_loop3A_70 = arith.constant 768 : i32
      %parallel_loop3A_71 = tpu.memref_slice %arg10[%parallel_loop3A_70] : memref<1024xf32, #tpu.memory_space<vmem>> -> memref<256xf32, #tpu.memory_space<vmem>>
      tpu.vector_store_idx %parallel_loop3A_71[%parallel_loop3A_59], %parallel_loop3A_69 {add = true} : memref<256xf32, #tpu.memory_space<vmem>>[vector<16xi32>], vector<16xf32>,
    } {sc.loop_unroll_factor = 32 : i64, sc.parallel_access}
    %parallel_loop3A_40 = arith.constant 0 : i32
    %parallel_loop3A_41 = arith.constant 64 : i32
    %parallel_loop3A_42 = arith.constant 1 : i32
    %parallel_loop3A_43:2 = scf.for %parallel_loop3A_53 = %parallel_loop3A_40 to %parallel_loop3A_41 step %parallel_loop3A_42 iter_args(%parallel_loop3A_54 = %broadcast_in_dim3A_3, %parallel_loop3A_55 = %broadcast_in_dim3A_3) -> (vector<16xf32>, vector<16xf32>)  : i32 {
      %parallel_loop3A_56 = arith.constant 16 : i32
      %parallel_loop3A_57 = arith.muli %parallel_loop3A_53, %parallel_loop3A_56 : i32
      %parallel_loop3A_58 = arith.index_cast %parallel_loop3A_57 : i32 to index
      %parallel_loop3A_59 = tpu.vector_load %arg9[%parallel_loop3A_58] {strides = array<i32>} : memref<1024xf32, #tpu.memory_space<vmem>>, vector<16xf32>,
      %parallel_loop3A_60 = arith.index_cast %parallel_loop3A_57 : i32 to index
      %parallel_loop3A_61 = tpu.vector_load %arg10[%parallel_loop3A_60] {strides = array<i32>} : memref<1024xf32, #tpu.memory_space<vmem>>, vector<16xf32>,
      %parallel_loop3A_62 = arith.constant 0.000000e+00 : f32
      %parallel_loop3A_63 = vector.broadcast %parallel_loop3A_62 : f32 to vector<16xf32>
      %parallel_loop3A_64 = arith.cmpf ogt, %parallel_loop3A_61, %parallel_loop3A_63 : vector<16xf32>
      %parallel_loop3A_65 = arith.subf %parallel_loop3A_59, %parallel_loop3A_61 : vector<16xf32>
      %parallel_loop3A_66 = arith.constant 0.000000e+00 : f32
      %parallel_loop3A_67 = vector.broadcast %parallel_loop3A_66 : f32 to vector<16xf32>
      %parallel_loop3A_68 = arith.select %parallel_loop3A_64, %parallel_loop3A_65, %parallel_loop3A_67 : vector<16xi1>, vector<16xf32>
      %parallel_loop3A_69 = arith.mulf %parallel_loop3A_68, %parallel_loop3A_68 : vector<16xf32>
      %parallel_loop3A_70 = arith.addf %parallel_loop3A_54, %parallel_loop3A_69 : vector<16xf32>
      %parallel_loop3A_71 = arith.constant 1.000000e+00 : f32
      %parallel_loop3A_72 = arith.constant 0.000000e+00 : f32
      %parallel_loop3A_73 = vector.broadcast %parallel_loop3A_71 : f32 to vector<16xf32>
      %parallel_loop3A_74 = vector.broadcast %parallel_loop3A_72 : f32 to vector<16xf32>
      %parallel_loop3A_75 = arith.select %parallel_loop3A_64, %parallel_loop3A_73, %parallel_loop3A_74 : vector<16xi1>, vector<16xf32>
      %parallel_loop3A_76 = arith.addf %parallel_loop3A_55, %parallel_loop3A_75 : vector<16xf32>
      scf.yield %parallel_loop3A_70, %parallel_loop3A_76 : vector<16xf32>, vector<16xf32>
    } {sc.loop_unroll_factor = 16 : i64, sc.parallel_access}
    %swap3A = arith.constant 0 : index
    %swap3A_44 = tpu.vector_load %arg11[%swap3A] {strides = array<i32>} : memref<16xf32, #tpu.memory_space<vmem>>, vector<16xf32>,
    tpu.vector_store %arg11[%swap3A], %parallel_loop3A_43#0 {strides = array<i32>} : memref<16xf32, #tpu.memory_space<vmem>>, vector<16xf32>,
    %swap3A_45 = arith.constant 0 : index
    %swap3A_46 = tpu.vector_load %arg12[%swap3A_45] {strides = array<i32>} : memref<16xf32, #tpu.memory_space<vmem>>, vector<16xf32>,
    tpu.vector_store %arg12[%swap3A_45], %parallel_loop3A_43#1 {strides = array<i32>} : memref<16xf32, #tpu.memory_space<vmem>>, vector<16xf32>,
    %mul3A_47 = arith.constant 16 : i32
    %mul3A_48 = arith.muli %arg1, %mul3A_47 : i32
    "tpu.region"() ({
      %run_scoped3A = tpu.sem_alloc : memref<!tpu.dma_semaphore, #tpu.memory_space<semaphore_mem>>
      %dma_start3A_53 = tpu.memref_slice %arg15[%mul3A_48] : memref<256xf32, #tpu.memory_space<vmem_shared>> -> memref<16xf32, #tpu.memory_space<vmem_shared>>
      %dma_start3A_54 = tpu.memref_slice %arg15[%mul3A_48] : memref<256xf32, #tpu.memory_space<vmem_shared>> -> memref<16xf32, #tpu.memory_space<vmem_shared>>
      tpu.enqueue_dma source(%arg11 : memref<16xf32, #tpu.memory_space<vmem>>) target(%dma_start3A_54 : memref<16xf32, #tpu.memory_space<vmem_shared>>) target_semaphore(%run_scoped3A : memref<!tpu.dma_semaphore, #tpu.memory_space<semaphore_mem>>)
      %dma_wait3A_55 = tpu.memref_slice %arg15[%mul3A_48] : memref<256xf32, #tpu.memory_space<vmem_shared>> -> memref<16xf32, #tpu.memory_space<vmem_shared>>
      %dma_wait3A_56 = tpu.memref_slice %arg15[%mul3A_48] : memref<256xf32, #tpu.memory_space<vmem_shared>> -> memref<16xf32, #tpu.memory_space<vmem_shared>>
      tpu.wait_dma2 semaphore(%run_scoped3A : memref<!tpu.dma_semaphore, #tpu.memory_space<semaphore_mem>>) src(%arg11 : memref<16xf32, #tpu.memory_space<vmem>>) dst(%dma_wait3A_56 : memref<16xf32, #tpu.memory_space<vmem_shared>>)
      tpu.yield
    }) : () -> ()
    %mul3A_49 = arith.constant 16 : i32
    %mul3A_50 = arith.muli %arg1, %mul3A_49 : i32
    "tpu.region"() ({
      %run_scoped3A = tpu.sem_alloc : memref<!tpu.dma_semaphore, #tpu.memory_space<semaphore_mem>>
      %dma_start3A_53 = tpu.memref_slice %arg16[%mul3A_50] : memref<256xf32, #tpu.memory_space<vmem_shared>> -> memref<16xf32, #tpu.memory_space<vmem_shared>>
      %dma_start3A_54 = tpu.memref_slice %arg16[%mul3A_50] : memref<256xf32, #tpu.memory_space<vmem_shared>> -> memref<16xf32, #tpu.memory_space<vmem_shared>>
      tpu.enqueue_dma source(%arg12 : memref<16xf32, #tpu.memory_space<vmem>>) target(%dma_start3A_54 : memref<16xf32, #tpu.memory_space<vmem_shared>>) target_semaphore(%run_scoped3A : memref<!tpu.dma_semaphore, #tpu.memory_space<semaphore_mem>>)
      %dma_wait3A_55 = tpu.memref_slice %arg16[%mul3A_50] : memref<256xf32, #tpu.memory_space<vmem_shared>> -> memref<16xf32, #tpu.memory_space<vmem_shared>>
      %dma_wait3A_56 = tpu.memref_slice %arg16[%mul3A_50] : memref<256xf32, #tpu.memory_space<vmem_shared>> -> memref<16xf32, #tpu.memory_space<vmem_shared>>
      tpu.wait_dma2 semaphore(%run_scoped3A : memref<!tpu.dma_semaphore, #tpu.memory_space<semaphore_mem>>) src(%arg12 : memref<16xf32, #tpu.memory_space<vmem>>) dst(%dma_wait3A_56 : memref<16xf32, #tpu.memory_space<vmem_shared>>)
      tpu.yield
    }) : () -> ()
    %barrier3A = arith.constant 0 : index
    tpu.barrier barrier_id(%barrier3A)
    %eq3A = arith.constant 0 : i32
    %eq3A_51 = arith.cmpi eq, %arg1, %eq3A : i32
    %convert_element_type3A = arith.extui %eq3A_51 : i1 to i32
    %cond3A = arith.constant 0 : i32
    %cond3A_52 = arith.cmpi ne, %convert_element_type3A, %cond3A : i32
    scf.if %cond3A_52 {
      "tpu.region"() ({
        %run_scoped3A = tpu.sem_alloc : memref<!tpu.dma_semaphore, #tpu.memory_space<semaphore_mem>>
        tpu.enqueue_dma source(%arg15 : memref<256xf32, #tpu.memory_space<vmem_shared>>) target(%arg13 : memref<256xf32, #tpu.memory_space<vmem>>) target_semaphore(%run_scoped3A : memref<!tpu.dma_semaphore, #tpu.memory_space<semaphore_mem>>)
        tpu.wait_dma2 semaphore(%run_scoped3A : memref<!tpu.dma_semaphore, #tpu.memory_space<semaphore_mem>>) src(%arg15 : memref<256xf32, #tpu.memory_space<vmem_shared>>) dst(%arg13 : memref<256xf32, #tpu.memory_space<vmem>>)
        tpu.yield
      }) : () -> ()
      "tpu.region"() ({
        %run_scoped3A = tpu.sem_alloc : memref<!tpu.dma_semaphore, #tpu.memory_space<semaphore_mem>>
        tpu.enqueue_dma source(%arg16 : memref<256xf32, #tpu.memory_space<vmem_shared>>) target(%arg14 : memref<256xf32, #tpu.memory_space<vmem>>) target_semaphore(%run_scoped3A : memref<!tpu.dma_semaphore, #tpu.memory_space<semaphore_mem>>)
        tpu.wait_dma2 semaphore(%run_scoped3A : memref<!tpu.dma_semaphore, #tpu.memory_space<semaphore_mem>>) src(%arg16 : memref<256xf32, #tpu.memory_space<vmem_shared>>) dst(%arg14 : memref<256xf32, #tpu.memory_space<vmem>>)
        tpu.yield
      }) : () -> ()
      %parallel_loop3A_53 = arith.constant 0 : i32
      %parallel_loop3A_54 = arith.constant 16 : i32
      %parallel_loop3A_55 = arith.constant 1 : i32
      %parallel_loop3A_56:2 = scf.for %parallel_loop3A_79 = %parallel_loop3A_53 to %parallel_loop3A_54 step %parallel_loop3A_55 iter_args(%parallel_loop3A_80 = %broadcast_in_dim3A_3, %parallel_loop3A_81 = %broadcast_in_dim3A_3) -> (vector<16xf32>, vector<16xf32>)  : i32 {
        %parallel_loop3A_82 = arith.constant 16 : i32
        %parallel_loop3A_83 = arith.muli %parallel_loop3A_79, %parallel_loop3A_82 : i32
        %parallel_loop3A_84 = arith.index_cast %parallel_loop3A_83 : i32 to index
        %parallel_loop3A_85 = tpu.vector_load %arg13[%parallel_loop3A_84] {strides = array<i32>} : memref<256xf32, #tpu.memory_space<vmem>>, vector<16xf32>,
        %parallel_loop3A_86 = arith.addf %parallel_loop3A_80, %parallel_loop3A_85 : vector<16xf32>
        %parallel_loop3A_87 = arith.index_cast %parallel_loop3A_83 : i32 to index
        %parallel_loop3A_88 = tpu.vector_load %arg14[%parallel_loop3A_87] {strides = array<i32>} : memref<256xf32, #tpu.memory_space<vmem>>, vector<16xf32>,
        %parallel_loop3A_89 = arith.addf %parallel_loop3A_81, %parallel_loop3A_88 : vector<16xf32>
        scf.yield %parallel_loop3A_86, %parallel_loop3A_89 : vector<16xf32>, vector<16xf32>
      } {sc.loop_unroll_factor = 4 : i64, sc.parallel_access}
      %iota3A = tpu.iota {dimensions = array<i32: 0>} : vector<16xi32>
      %eq3A_57 = arith.constant 0 : i32
      %eq3A_58 = vector.broadcast %eq3A_57 : i32 to vector<16xi32>
      %eq3A_59 = arith.cmpi eq, %iota3A, %eq3A_58 : vector<16xi32>
      %reduce_sum3A = arith.constant true
      %reduce_sum3A_60 = vector.broadcast %reduce_sum3A : i1 to vector<16xi1>
      %reduce_sum3A_61 = tpu.scan <sum>, %parallel_loop3A_56#0 masked %reduce_sum3A_60 : vector<16xf32>, vector<16xi1> -> vector<16xf32>
      %reduce_sum3A_62 = vector.extract %reduce_sum3A_61[15] : f32 from vector<16xf32>
      %jit3A = arith.constant 0.000000e+00 : f32
      %broadcast_in_dim3A_63 = vector.broadcast %reduce_sum3A_62 : f32 to vector<16xf32>
      %broadcast_in_dim3A_64 = vector.broadcast %jit3A : f32 to vector<16xf32>
      %select_n3A = arith.select %eq3A_59, %broadcast_in_dim3A_63, %broadcast_in_dim3A_64 : vector<16xi1>, vector<16xf32>
      %eq3A_65 = arith.constant 1 : i32
      %eq3A_66 = vector.broadcast %eq3A_65 : i32 to vector<16xi32>
      %eq3A_67 = arith.cmpi eq, %iota3A, %eq3A_66 : vector<16xi32>
      %reduce_sum3A_68 = arith.constant true
      %reduce_sum3A_69 = vector.broadcast %reduce_sum3A_68 : i1 to vector<16xi1>
      %reduce_sum3A_70 = tpu.scan <sum>, %parallel_loop3A_56#1 masked %reduce_sum3A_69 : vector<16xf32>, vector<16xi1> -> vector<16xf32>
      %reduce_sum3A_71 = vector.extract %reduce_sum3A_70[15] : f32 from vector<16xf32>
      %jit3A_72 = arith.constant 0.000000e+00 : f32
      %broadcast_in_dim3A_73 = vector.broadcast %reduce_sum3A_71 : f32 to vector<16xf32>
      %broadcast_in_dim3A_74 = vector.broadcast %jit3A_72 : f32 to vector<16xf32>
      %select_n3A_75 = arith.select %eq3A_67, %broadcast_in_dim3A_73, %broadcast_in_dim3A_74 : vector<16xi1>, vector<16xf32>
      %add3A_76 = arith.addf %select_n3A, %select_n3A_75 : vector<16xf32>
      %swap3A_77 = arith.constant 0 : index
      %swap3A_78 = tpu.vector_load %arg11[%swap3A_77] {strides = array<i32>} : memref<16xf32, #tpu.memory_space<vmem>>, vector<16xf32>,
      tpu.vector_store %arg11[%swap3A_77], %add3A_76 {strides = array<i32>} : memref<16xf32, #tpu.memory_space<vmem>>, vector<16xf32>,
      "tpu.region"() ({
        %run_scoped3A = tpu.sem_alloc : memref<!tpu.dma_semaphore, #tpu.memory_space<semaphore_mem>>
        %dma_start3A_79 = arith.constant 0 : i32
        %dma_start3A_80 = tpu.memref_slice %arg5[%arg0, %dma_start3A_79] : memref<2x16xf32, #tpu.memory_space<hbm>> -> memref<1x16xf32, #tpu.memory_space<hbm>>
        %dma_start3A_81 = tpu.memref_squeeze %dma_start3A_80 : memref<1x16xf32, #tpu.memory_space<hbm>> -> memref<16xf32, #tpu.memory_space<hbm>>
        %dma_start3A_82 = arith.constant 0 : i32
        %dma_start3A_83 = tpu.memref_slice %arg5[%arg0, %dma_start3A_82] : memref<2x16xf32, #tpu.memory_space<hbm>> -> memref<1x16xf32, #tpu.memory_space<hbm>>
        %dma_start3A_84 = tpu.memref_squeeze %dma_start3A_83 : memref<1x16xf32, #tpu.memory_space<hbm>> -> memref<16xf32, #tpu.memory_space<hbm>>
        tpu.enqueue_dma source(%arg11 : memref<16xf32, #tpu.memory_space<vmem>>) target(%dma_start3A_84 : memref<16xf32, #tpu.memory_space<hbm>>) target_semaphore(%run_scoped3A : memref<!tpu.dma_semaphore, #tpu.memory_space<semaphore_mem>>)
        %dma_wait3A_85 = arith.constant 0 : i32
        %dma_wait3A_86 = tpu.memref_slice %arg5[%arg0, %dma_wait3A_85] : memref<2x16xf32, #tpu.memory_space<hbm>> -> memref<1x16xf32, #tpu.memory_space<hbm>>
        %dma_wait3A_87 = tpu.memref_squeeze %dma_wait3A_86 : memref<1x16xf32, #tpu.memory_space<hbm>> -> memref<16xf32, #tpu.memory_space<hbm>>
        %dma_wait3A_88 = arith.constant 0 : i32
        %dma_wait3A_89 = tpu.memref_slice %arg5[%arg0, %dma_wait3A_88] : memref<2x16xf32, #tpu.memory_space<hbm>> -> memref<1x16xf32, #tpu.memory_space<hbm>>
        %dma_wait3A_90 = tpu.memref_squeeze %dma_wait3A_89 : memref<1x16xf32, #tpu.memory_space<hbm>> -> memref<16xf32, #tpu.memory_space<hbm>>
        tpu.wait_dma2 semaphore(%run_scoped3A : memref<!tpu.dma_semaphore, #tpu.memory_space<semaphore_mem>>) src(%arg11 : memref<16xf32, #tpu.memory_space<vmem>>) dst(%dma_wait3A_90 : memref<16xf32, #tpu.memory_space<hbm>>)
        tpu.yield
      }) : () -> ()
    } else {
    }
    return
  }
}

</mosaic_0001>

<sc_bundles>
// kernel: kernel.3.cloned.1.call-start
scs
__scs_entry_jumppad:
0x0: {  	(pc) =	sbr.rel $0x88, $3  }
0x1: {  	(tag) =	ssettag $0x0;
	lr =	simm.s32 $0x1  }
0x2: {  	[smem:$0x3F9E] =	sst lr;
	_ =	strace $0xD0000000  }
0x3: {  	_ = 	snop  }
0x4: {  	_ = 	snop  }
0x5: {  	_ = 	snop  }
0x6: {  	_ = 	snop  }
0x7: {  	_ = 	snop  }
__scs_overlays_trampoline_lowered:
0x8: {  	[smem:$0x3FAD] =	sst s0  }
0x9: {  	[smem:$0x3FAE] =	sst s1  }
0xa: {  	[smem:$0x3FAF] =	sst s2  }
0xb: {  	[smem:$0x3FB0] =	sst s3  }
0xc: {  	[smem:$0x3FB1] =	sst s4  }
0xd: {  	[smem:$0x3FB2] =	sst s5  }
0xe: {  	[smem:$0x3FB3] =	sst s6  }
0xf: {  	[smem:$0x3FB4] =	sst s7  }
0x10: {  	[smem:$0x3FB5] =	sst s8  }
0x11: {  	[smem:$0x3FB6] =	sst s9;
	s0 =	simm.s32 @!p0 $0x0  }
0x12: {  	s1 =	sld [smem:$0x3F9C];
	s0 =	simm.s32 @p0 $0x1  }
0x13: {  	[smem:$0x3FB7] =	sst s0;
	s0 =	simm.s32 @!p1 $0x0  }
0x14: {  	s2 =	sld [smem:$0x3F9B];
	s0 =	simm.s32 @p1 $0x1  }
0x15: {  	[smem:$0x3FB8] =	sst s0;
	s0 =	simm.s32 @!p2 $0x0  }
0x16: {  	s3 =	sld [smem:$0x3FDB];
	s0 =	simm.s32 @p2 $0x1  }
0x17: {  	s4 =	simm.s32 $0x1BF5;
	[smem:$0x3FBA] =	sst s0  }
0x18: {  	s0 =	sld [smem:$0x3F9D];
	_ =	swait.ge [sflag:s4], $0x0  }
0x19: {  	s7 =	sld [smem:$0x3F9E]  }
0x1a: {  	s8 =	sadd.s32 $0xFFFFE003, lr  }
0x1b: {  	s9 =	sadd.s32 $0xFFFFFEF7, lr;
	s5 =	simm.s32 $0xFFFFFFFF;
	p2 =	slt.u32 s8, $0xFFFFF086  }
0x1c: {  	p1 =	slt.u32 s9, $0xF7A;
	s5 =	simm.s32 @!p2 $0x0  }
0x1d: {  	s5 =	simm.s32 @p1 $0x1;
	p0 =	seq.s32 s7, s2  }
0x1e: {  	s7 =	smul.u32 @!p0 $0xF7A, s2;
	p2 =	seq.s32 @!p0 s5, $0x0  }
0x1f: {  	s9 =	smul.u32 $0xF7A, s1;
	s8 =	simm.s32 @!p0 $0x1BF5;
	p2 =	por !p2, p0  }
0x20: {  	[sflag:s8] =	ssyncset.s32 @!p0 $0xFFFFF086;
	s6 =	sadd.s32 @!p0 s3, s7;
	s7 =	simm.s32 @!p0 $0x108  }
0x21: {  	s3 =	sadd.s32 s3, s9;
	s6 =	sadd.s32 @!p0 $0x88, s6;
	s7 =	simm.s32 @p2 $0x1082  }
0x22: {  	[simem:s7], [sflag:s8] =	dma.local @!p0 [hbm:s6], $0xF7A  }
0x23: {  	s9 =	sor.u32 $0xD0000000, s2;
	s6 =	simm.s32 $0x108;
	_ =	swait.ge @!p0 [sflag:s8], $0x0  }
0x24: {  	s3 =	sadd.s32 $0x88, s3;
	s6 =	simm.s32 @!p1 $0x1082;
	[sflag:s4] =	ssyncset.s32 $0xFFFFF086  }
0x25: {  	[simem:s6], [sflag:s4] =	dma.local [hbm:s3], $0xF7A  }
0x26: {  	[smem:$0x3F9E] =	sst s1;
	(tag) =	ssettag s2;
	_ =	strace s9  }
0x27: {  	s1 =	sld [smem:$0x3FAE]  }
0x28: {  	s2 =	sld [smem:$0x3FAF]  }
0x29: {  	s4 =	sld [smem:$0x3FB1]  }
0x2a: {  	p0 =	seq.s32 s5, $0x0;
	s5 =	sld [smem:$0x3FB2]  }
0x2b: {  	s6 =	sld [smem:$0x3FB3]  }
0x2c: {  	s7 =	sld [smem:$0x3FB4]  }
0x2d: {  	s3 =	simm.s32 $0x108;
	s8 =	sld [smem:$0x3FB5]  }
0x2e: {  	s3 =	simm.s32 @!p0 $0x1082;
	s9 =	sld [smem:$0x3FB6]  }
0x2f: {  	lr =	sadd.s32 s0, s3;
	s0 =	sld [smem:$0x3FAD]  }
0x30: {  	s3 =	sld [smem:$0x3FB0]  }
0x31: {  	[smem:$0x3FB9] =	sst s10  }
0x32: {  	s10 =	sld [smem:$0x3FB7];
	_ =	sdelay $0x3  }
0x33: {  	p0 =	seq.s32 s10, $0x1;
	s10 =	sld [smem:$0x3FB9];
	_ =	sdelay $0x3  }
0x34: {  	[smem:$0x3FB9] =	sst s10  }
0x35: {  	s10 =	sld [smem:$0x3FB8];
	_ =	sdelay $0x3  }
0x36: {  	p1 =	seq.s32 s10, $0x1;
	s10 =	sld [smem:$0x3FB9];
	_ =	sdelay $0x3  }
0x37: {  	[smem:$0x3FB9] =	sst s10  }
0x38: {  	s10 =	sld [smem:$0x3FBA]  }
0x39: {  	_ = 	snop;
	(pc) =	sbr.ind lr, $3  }
0x3a: {  	_ = 	snop  }
0x3b: {  	_ = 	snop  }
0x3c: {  	p2 =	seq.s32 s10, $0x1;
	s10 =	sld [smem:$0x3FB9]  }
0x3d: {  	_ =	shalt  }
0x3e: {  	_ =	shalt  }
0x3f: {  	_ =	shalt  }
0x40: {  	_ =	shalt  }
0x41: {  	_ =	shalt  }
0x42: {  	_ =	shalt  }
0x43: {  	_ =	shalt  }
0x44: {  	_ =	shalt  }
0x45: {  	_ =	shalt  }
0x46: {  	_ =	shalt  }
0x47: {  	_ =	shalt  }
0x48: {  	_ =	shalt  }
0x49: {  	_ =	shalt  }
0x4a: {  	_ =	shalt  }
0x4b: {  	_ =	shalt  }
0x4c: {  	_ =	shalt  }
0x4d: {  	_ =	shalt  }
0x4e: {  	_ =	shalt  }
0x4f: {  	_ =	shalt  }
0x50: {  	_ =	shalt  }
0x51: {  	_ =	shalt  }
0x52: {  	_ =	shalt  }
0x53: {  	_ =	shalt  }
0x54: {  	_ =	shalt  }
0x55: {  	_ =	shalt  }
0x56: {  	_ =	shalt  }
0x57: {  	_ =	shalt  }
0x58: {  	_ =	shalt  }
0x59: {  	_ =	shalt  }
0x5a: {  	_ =	shalt  }
0x5b: {  	_ =	shalt  }
0x5c: {  	_ =	shalt  }
0x5d: {  	_ =	shalt  }
0x5e: {  	_ =	shalt  }
0x5f: {  	_ =	shalt  }
0x60: {  	_ =	shalt  }
0x61: {  	_ =	shalt  }
0x62: {  	_ =	shalt  }
0x63: {  	_ =	shalt  }
0x64: {  	_ =	shalt  }
0x65: {  	_ =	shalt  }
0x66: {  	_ =	shalt  }
0x67: {  	_ =	shalt  }
0x68: {  	_ =	shalt  }
0x69: {  	_ =	shalt  }
0x6a: {  	_ =	shalt  }
0x6b: {  	_ =	shalt  }
0x6c: {  	_ =	shalt  }
0x6d: {  	_ =	shalt  }
0x6e: {  	_ =	shalt  }
0x6f: {  	_ =	shalt  }
0x70: {  	_ =	shalt  }
0x71: {  	_ =	shalt  }
0x72: {  	_ =	shalt  }
0x73: {  	_ =	shalt  }
0x74: {  	_ =	shalt  }
0x75: {  	_ =	shalt  }
0x76: {  	_ =	shalt  }
0x77: {  	_ =	shalt  }
0x78: {  	_ =	shalt  }
0x79: {  	_ =	shalt  }
0x7a: {  	_ =	shalt  }
0x7b: {  	_ =	shalt  }
0x7c: {  	_ =	shalt  }
0x7d: {  	_ =	shalt  }
0x7e: {  	_ =	shalt  }
0x7f: {  	_ =	shalt  }
0x80: {  	_ =	shalt  }
0x81: {  	_ =	shalt  }
0x82: {  	_ =	shalt  }
0x83: {  	_ =	shalt  }
0x84: {  	_ =	shalt  }
0x85: {  	_ =	shalt  }
0x86: {  	_ =	shalt  }
0x87: {  	_ =	shalt  }
.Lfunc_end0:
.L_simem_size_0:
called_computation_lowered:
.L_overlay_start_0:
0x88: {  	s2 =	sld [smem:$0x3FD9]  }
0x89: {  	s3 =	sld [smem:$0x3FFE];
	_ =	sdelay $0x1  }
0x8a: {  	s1 =	srdreg.scid  }
0x8b: {  	s0 =	sand.u32 $0x1, s1  }
0x8c: {  	s17 =	sshll.u32 s0, $0xA;
	s2 =	sadd.s32 s3, s2  }
0x8d: {  	s2 =	sadd.s32 s2, s17  }
0x8e: {  	[smem:$0x3FC5] =	sst s2  }
0x8f: {  	_ = 	snop  }
0x90: {  	s2 =	sld [smem:$0x3FC9]  }
0x91: {  	s18 =	sld [smem:$0x3FC8]  }
0x92: {  	s4 =	sld [smem:$0x3FC7];
	(tm) =	ssettm $0x1  }
0x93: {  	s5 =	sld [smem:$0x3FFB];
	_ =	sdelay $0x3  }
0x94: {  	_ =	strace s5  }
0x95: {  	s5 =	sld [smem:$0x3FFC];
	_ =	sdelay $0x3  }
0x96: {  	_ =	strace s5  }
0x97: {  	s5 =	sld [smem:$0x3FFD];
	_ =	sdelay $0x3  }
0x98: {  	_ =	strace s5  }
0x99: {  	_ =	strace $0x8FFFFFFF  }
0x9a: {  	s19 =	sld [smem:$0x3FDB];
	_ =	sdelay $0x1  }
0x9b: {  	s6 =	simm.s32 $_scs_section_size  }
0x9c: {  	s7 =	simm.s32 $_size__tile_overlayer_lowered;
	s8 =	simm.s32 $_tile_overlayer_lowered  }
0x9d: {  	s22 =	simm.s32 $0x1BFF;
	s21 =	sshll.u32 s8, $0x1;
	s5 =	sadd.s32 s6, s19  }
0x9e: {  	s9 =	simm.s32 $0x0;
	s20 =	sshll.u32 s7, $0x1;
	s7 =	sadd.s32 s21, s5  }
0x9f: {  	[timem:s9], [sflag:s22] =	dma.local [hbm:s7], s20  }
0xa0: {  	_ =	swait.ge [sflag:s22], s20  }
0xa1: {  	s6 =	ssub.s32 $0x0, s20;
	[sflag:s22] =	ssyncset.done $0x0  }
0xa2: {  	[sflag:s22] =	ssyncadd.s32 s6;
	_ =	sdelay $0x1  }
0xa3: {  	s23 =	simm.s32 $0x1B8B  }
0xa4: {  	_ =	swait.ge [sflag:s23], $0x1  }
0xa5: {  	[sflag:s23] =	ssyncset.done $0x0  }
0xa6: {  	s25 =	simm.s32 $0x1B8E;
	s24 =	sld [smem:$0x3FFE];
	[sflag:s23] =	ssyncadd.s32 $0xFFFFFFFF  }
0xa7: {  	s26 =	simm.s32 $execute0_lowered;
	[smem:$0x3FD2] =	sst s25  }
0xa8: {  	s7 =	sshll.u32 s26, $0x1;
	_ =	strace $0x80000046;
	[dreg:$0x1] =	wrdreg $0xFFFFFFFF  }
0xa9: {  	s28 =	simm.s32 $_size_execute0_lowered;
	s5 =	sadd.s32 s5, s7;
	[dreg:$0x0] =	wrdreg $0x0  }
0xaa: {  	s7 =	sshll.u32 s28, $0x1;
	[dreg:$0x2] =	wrdreg s5  }
0xab: {  	[dreg:$0x3] =	wrdreg s7  }
0xac: {  	[dreg:$0x4] =	wrdreg $0xC0  }
0xad: {  	_ =	task [dreg:s9], $0x5FFFF  }
0xae: {  	[dreg:$0x1] =	wrdreg $0xFFFFFFFF  }
0xaf: {  	[dreg:$0x0] =	wrdreg $0x60  }
0xb0: {  	[dreg:$0x2] =	wrdreg s2  }
0xb1: {  	[dreg:$0x3] =	wrdreg s18  }
0xb2: {  	[dreg:$0x4] =	wrdreg s4  }
0xb3: {  	[dreg:$0x5] =	wrdreg s24  }
0xb4: {  	[dreg:$0x6] =	wrdreg $0xCB000  }
0xb5: {  	[dreg:$0x7] =	wrdreg $0xCB100  }
0xb6: {  	[dreg:$0x8] =	wrdreg $0x9  }
0xb7: {  	_ =	task.clear_ibuf [dreg:s9], $0x9FFFF;
	_ =	strace $0x90000046  }
0xb8: {  	s29 =	simm.s32 $0x9;
	_ =	strace $0x80000048  }
0xb9: {  	_ =	swait.ge [sflag:s29], $0x1  }
0xba: {  	[sflag:s29] =	ssyncadd.s32 $0xFFFFFFFF  }
0xbb: {  	_ =	strace $0x90000048  }
0xbc: {  	_ =	sfence  }
0xbd: {  	s30 =	sld [smem:$0x0];
	_ =	sdelay $0x2  }
0xbe: {  	s31 =	sshll.u32 s1, $0xD;
	s1 =	sshrl.u32 s1, $0x2  }
0xbf: {  	s3 =	sand.u32 $0x4000, s31;
	s1 =	sadd.s32 s1, s30  }
0xc0: {  	s0 =	sor.u32 s3, s0;
	s1 =	sshll.u32 s1, $0x11  }
0xc1: {  	s0 =	sor.u32 s1, s0  }
0xc2: {  	s0 =	sadd.s32 $0x8F2B, s0  }
0xc3: {  	[sflag:s0] =	ssyncadd.remote.s32 $0x1  }
0xc4: {  	_ =	sfence.sel $0xFFFF  }
0xc5: {  	[dreg:$0x0] =	wrdreg $0xFFFFFFFF;
	(pc) =	sbr.abs _section_cstart, $3  }
0xc6: {  	[dreg:$0x1] =	wrdreg $0xFFFFFFFF  }
0xc7: {  	_ =	task.clear_ibuf [dreg:s9], $0x2FFFF;
	_ =	strace $0x9FFFFFFF  }
0xc8: {  	(tm) =	ssettm $0x7FFFFFFF  }
0xc9: {  	_ =	shalt  }
tec
execute0_lowered:
.L_overlay_start_1:
0x0: {  	(tag) =	ssettag $0x1  }
0x1: {  	s0 =	rddreg [dreg:$0x0]  }
0x2: {  	s1 =	rddreg [dreg:$0x1]  }
0x3: {  	s2 =	rddreg [dreg:$0x2]  }
0x4: {  	s4 =	rddreg [dreg:$0x3]  }
0x5: {  	s12 =	rddreg [dreg:$0x4]  }
0x6: {  	s13 =	rddreg [dreg:$0x5];
	s3 =	simm.s32 $0x0  }
0x7: {  	s5 =	srdreg.scid;
	s9 =	stileid.u32;
	s14 =	simm.s32 $0x8000  }
0x8: {  	s15 =	simm.s32 $0x1;
	s16 =	simm.s32 $0xC000;
	s17 =	simm.s32 $0xC400  }
0x9: {  	s18 =	simm.s32 $0xC100;
	s19 =	simm.s32 $0xC500;
	s20 =	simm.s32 $0xC200  }
0xa: {  	s21 =	simm.s32 $0xC600;
	s22 =	simm.s32 $0xC300;
	s23 =	simm.s32 $0xC700  }
0xb: {  	s24 =	simm.s32 $0xC800;
	s25 =	simm.s32 $0x2;
	s30 =	simm.s32 $0x0  }
0xc: {  	[smem:$0x7FF] =	sst s3;
	s5 =	sand.u32 $0x1, s5;
	s6 =	sshll.u32 s9, $0xB  }
0xd: {  	s8 =	sshll.u32 s9, $0x6;
	s29 =	sshll.u32 s9, $0x4;
	p0 =	sne.s32 s9, $0x0  }
0xe: {  	_ =	strace $0x80000047;
	s7 =	sshll.u32 s5, $0xF;
	s6 =	sand.u32 $0x7000, s6  }
0xf: {  	s10 =	ssub.s32 $0x2, s5;
	s26 =	sand.u32 $0x40, s8;
	s5 =	sshll.u32 s5, $0x4  }
0x10: {  	s8 =	sadd.s32 s29, s13;
	s13 =	simm.s32 $0x4000;
	s6 =	sor.u32 s7, s6  }
.Ltmp0:
0x11: {  	s28 =	sshrl.u32 s10, $0x1;
	s11 =	sadd.s32 s5, s4;
	(pc) =	sbr.rel .LBB2_1-.Ltmp0, $4  }
0x12: {  	s7 =	sadd.s32 s29, s12;
	s12 =	simm.s32 $0x400;
	s6 =	sor.u32 s26, s6  }
0x13: {  	s10 =	ssub.s32 s10, s28;
	s31 =	sadd.s32 $0x600, s11;
	s11 =	simm.s32 $0x200  }
0x14: {  	s26 =	simm.s32 $0xC880;
	s4 =	sadd.s32 s0, s6;
	s5 =	sadd.s32 s1, s6  }
0x15: {  	v0 =	vimm.f32 $0.0e+00;
	s6 =	sadd.s32 s2, s6;
	[dreg:$0x7] =	wrdreg s31;
	s10 =	smax.u32 s10, $0x1  }
.LBB2_16:
0x16: {  	v5 =	vadd.f32 v5, v7  }
0x17: {  	v2 =	vadd.f32 v2, v8  }
0x18: {  	v4 =	vadd.f32 v4, v5  }
0x19: {  	v1 =	vadd.f32 v1, v2  }
0x1a: {  	v2 =	vadd.f32 v6, v4  }
0x1b: {  	v1 =	vadd.f32 v3, v1  }
0x1c: {  	(xrf2) =	vadd.scan.msk.f32 $0xffff, v2  }
0x1d: {  	(xrf2) =	vadd.scan.msk.f32 $0xffff, v1;
	_ =	sdelay $0x8  }
0x1e: {  	v1, _, _ =	vpop (xrf2)  }
0x1f: {  	v2, _, _ =	vpop (xrf2)  }
0x20: {  	v1 =	vbroadcast v1, $0xF;
	v2 =	vbroadcast v2, $0xF  }
0x21: {  	vm0 =	vmmov $0x1;
	vm15 =	vcmask $0x704  }
0x22: {  	v1 =	vnsel vm0, $0x0, v1;
	v2 =	vnsel vm15, $0x0, v2  }
0x23: {  	v1 =	vadd.f32 v2, v1;
	_ =	sdelay $0x1  }
0x24: {  	s0 =	rddreg [dreg:$0x7];
	[tilespmem:$0xC800] =	vst v1  }
0x25: {  	[hbm4b:s0+s3] =	stream.linear.scatter [tilespmem:s24], [sflag:$0x2], $0x80, $0x38;
	[tilespmem:$0xCB20] =	vst v63  }
0x26: {  	_ =	swait.ge [sflag:s25], $0x80  }
0x27: {  	[sflag:s25] =	ssyncset.done $0x0  }
0x28: {  	[sflag:s25] =	ssyncadd.s32 $0xFFFFFF80  }
.LBB2_17:
0x29: {  	s30 =	sadd.s32 $0x1, s30  }
0x2a: {  	p1 =	sne.s32 s30, s10  }
.Ltmp1:
0x2b: {  	_ = 	snop;
	(pc) =	sbr.rel @!p1 .LBB2_18-.Ltmp1, $1  }
0x2c: {  	_ =	sdelay $0x3  }
.LBB2_1:
0x2d: {  	[tilespmem:s3], [sflag:$0x1] =	stream.strided.gather [hbm4b:s4+s11], $0x4000, s12, s11, $0x38;
	[tilespmem:$0xCB20] =	vst v63  }
0x2e: {  	_ = 	snop  }
0x2f: {  	[tilespmem:s13], [sflag:$0x1] =	stream.strided.gather [hbm4b:s5+s11], $0x4000, s12, s11, $0x38;
	[tilespmem:$0xCB20] =	vst v63  }
0x30: {  	s0 =	simm.s32 $0xC040  }
0x31: {  	[tilespmem:s14], [sflag:$0x1] =	stream.strided.gather [hbm4b:s6+s11], $0x4000, s12, s11, $0x38;
	[tilespmem:$0xCB20] =	vst v63  }
0x32: {  	[tilespmem:s0+$0x30] =	vst v0  }
0x33: {  	[tilespmem:s0+$0xFFFFFFF0] =	vst v0  }
0x34: {  	[tilespmem:s0+$0xFFFFFFC0] =	vst v0  }
0x35: {  	[tilespmem:s0+$0xFFFFFFE0] =	vst v0  }
0x36: {  	[tilespmem:s0+$0x10] =	vst v0  }
0x37: {  	[tilespmem:s0+$0x20] =	vst v0  }
0x38: {  	[tilespmem:s0+$0x0] =	vst v0  }
0x39: {  	s1 =	simm.s32 $0xC440;
	[tilespmem:s0+$0xFFFFFFD0] =	vst v0  }
0x3a: {  	[tilespmem:s1+$0xFFFFFFC0] =	vst v0  }
0x3b: {  	[tilespmem:s1+$0x30] =	vst v0  }
0x3c: {  	[tilespmem:s1+$0x20] =	vst v0  }
0x3d: {  	[tilespmem:s1+$0x10] =	vst v0  }
0x3e: {  	[tilespmem:s1+$0xFFFFFFE0] =	vst v0  }
0x3f: {  	[tilespmem:s1+$0x0] =	vst v0  }
0x40: {  	s2 =	simm.s32 $0x0;
	[tilespmem:s1+$0xFFFFFFF0] =	vst v0  }
.LBB2_2:
0x41: {  	s2 =	sadd.s32 $0x8, s2;
	[tilespmem:s1+$0xFFFFFFD0] =	vst v0;
	s0 =	sadd.s32 $0x80, s0;
	s1 =	sadd.s32 $0x80, s1  }
0x42: {  	[tilespmem:s0+$0x30] =	vst v0;
	p1 =	slt.u32 s2, $0x38  }
0x43: {  	[tilespmem:s0+$0xFFFFFFF0] =	vst v0  }
0x44: {  	[tilespmem:s0+$0xFFFFFFC0] =	vst v0  }
0x45: {  	[tilespmem:s1+$0xFFFFFFC0] =	vst v0  }
0x46: {  	[tilespmem:s1+$0x30] =	vst v0  }
0x47: {  	[tilespmem:s0+$0xFFFFFFE0] =	vst v0  }
0x48: {  	[tilespmem:s0+$0x10] =	vst v0  }
0x49: {  	[tilespmem:s0+$0x20] =	vst v0  }
0x4a: {  	[tilespmem:s1+$0x20] =	vst v0  }
0x4b: {  	[tilespmem:s1+$0x10] =	vst v0  }
.Ltmp2:
0x4c: {  	[tilespmem:s1+$0xFFFFFFE0] =	vst v0;
	(pc) =	sbr.rel @p1 .LBB2_2-.Ltmp2, $4  }
0x4d: {  	[tilespmem:s0+$0x0] =	vst v0  }
0x4e: {  	[tilespmem:s1+$0x0] =	vst v0  }
0x4f: {  	[tilespmem:s1+$0xFFFFFFF0] =	vst v0  }
0x50: {  	[tilespmem:s0+$0xFFFFFFD0] =	vst v0  }
0x51: {  	[tilespmem:s1+$0xFFFFFFD0] =	vst v0  }
0x52: {  	_ =	swait.ge [sflag:s15], $0x4000  }
0x53: {  	[sflag:s15] =	ssyncset.done $0x0  }
0x54: {  	[sflag:s15] =	ssyncadd.s32 $0xFFFFC000  }
0x55: {  	_ =	swait.ge [sflag:s15], $0x4000  }
0x56: {  	[sflag:s15] =	ssyncset.done $0x0  }
0x57: {  	[sflag:s15] =	ssyncadd.s32 $0xFFFFC000  }
0x58: {  	_ =	swait.ge [sflag:s15], $0x4000  }
0x59: {  	[sflag:s15] =	ssyncset.done $0x0  }
0x5a: {  	s0 =	simm.s32 $0x8400;
	[sflag:s15] =	ssyncadd.s32 $0xFFFFC000  }
0x5b: {  	v7 =	vld [tilespmem:s0+$0x270]  }
0x5c: {  	v1 =	vld [tilespmem:s0+$0xFFFFFC10]  }
0x5d: {  	s28 =	simm.s32 $0x400;
	v2 =	vld [tilespmem:s0+$0xFFFFFC20]  }
0x5e: {  	v8 =	vld [tilespmem:s28+$0x270]  }
0x5f: {  	v3 =	vld [tilespmem:s0+$0xFFFFFC30]  }
0x60: {  	v4 =	vld [tilespmem:s0+$0xFFFFFC40]  }
0x61: {  	v5 =	vld [tilespmem:s0+$0xFFFFFC50]  }
0x62: {  	v6 =	vld [tilespmem:s0+$0xFFFFFC60]  }
0x63: {  	v9 =	vld [tilespmem:s0+$0xFFFFFC70]  }
0x64: {  	v10 =	vld [tilespmem:s0+$0xFFFFFE00]  }
0x65: {  	v11 =	vld [tilespmem:s0+$0xFFFFFE10]  }
0x66: {  	v12 =	vld [tilespmem:s0+$0xFFFFFE20]  }
0x67: {  	v13 =	vld [tilespmem:s0+$0xFFFFFE40]  }
0x68: {  	v14 =	vld [tilespmem:s0+$0xFFFFFE50]  }
0x69: {  	v15 =	vld [tilespmem:s0+$0xFFFFFE60]  }
0x6a: {  	v16 =	vld [tilespmem:s0+$0xFFFFFE70]  }
0x6b: {  	v17 =	vld [tilespmem:s0+$0x0]  }
0x6c: {  	v18 =	vld [tilespmem:s0+$0x10]  }
0x6d: {  	v19 =	vld [tilespmem:s0+$0x20]  }
0x6e: {  	v20 =	vld [tilespmem:s0+$0x30]  }
0x6f: {  	v21 =	vld [tilespmem:s0+$0x40]  }
0x70: {  	v22 =	vld [tilespmem:s0+$0x50]  }
0x71: {  	v23 =	vld [tilespmem:s0+$0x60]  }
0x72: {  	v24 =	vld [tilespmem:s0+$0x70]  }
0x73: {  	v25 =	vld [tilespmem:s0+$0x200]  }
0x74: {  	v26 =	vld [tilespmem:s0+$0x210]  }
0x75: {  	v27 =	vld [tilespmem:s0+$0x220]  }
0x76: {  	v28 =	vld [tilespmem:s0+$0x230]  }
0x77: {  	v29 =	vld [tilespmem:s0+$0x240]  }
0x78: {  	v30 =	vld [tilespmem:s0+$0x250]  }
0x79: {  	v31 =	vld [tilespmem:s0+$0xFFFFFC00]  }
0x7a: {  	v32 =	vld [tilespmem:s28+$0xFFFFFC00]  }
0x7b: {  	v33 =	vld [tilespmem:s28+$0xFFFFFC10]  }
0x7c: {  	v34 =	vld [tilespmem:s28+$0xFFFFFC20]  }
0x7d: {  	v35 =	vld [tilespmem:s28+$0xFFFFFC30]  }
0x7e: {  	v36 =	vld [tilespmem:s28+$0xFFFFFC40]  }
0x7f: {  	v37 =	vld [tilespmem:s28+$0xFFFFFC50]  }
0x80: {  	v38 =	vld [tilespmem:s28+$0xFFFFFC60]  }
0x81: {  	v39 =	vld [tilespmem:s28+$0xFFFFFC70]  }
0x82: {  	v40 =	vld [tilespmem:s28+$0xFFFFFE00]  }
0x83: {  	v41 =	vld [tilespmem:s28+$0xFFFFFE10]  }
0x84: {  	v42 =	vld [tilespmem:s28+$0xFFFFFE20]  }
0x85: {  	v43 =	vld [tilespmem:s28+$0xFFFFFE30]  }
0x86: {  	v44 =	vld [tilespmem:s28+$0xFFFFFE40]  }
0x87: {  	v45 =	vld [tilespmem:s28+$0xFFFFFE50]  }
0x88: {  	v46 =	vld [tilespmem:s28+$0xFFFFFE60]  }
0x89: {  	v47 =	vld [tilespmem:s28+$0xFFFFFE70]  }
0x8a: {  	v48 =	vld [tilespmem:s28+$0x0]  }
0x8b: {  	v49 =	vld [tilespmem:s28+$0x10]  }
0x8c: {  	v50 =	vld [tilespmem:s28+$0x20]  }
0x8d: {  	v51 =	vld [tilespmem:s28+$0x30]  }
0x8e: {  	v52 =	vld [tilespmem:s28+$0x40]  }
0x8f: {  	v53 =	vld [tilespmem:s28+$0x50]  }
0x90: {  	v54 =	vld [tilespmem:s28+$0x60]  }
0x91: {  	v55 =	vld [tilespmem:s28+$0x70]  }
0x92: {  	v56 =	vld [tilespmem:s28+$0x200]  }
0x93: {  	v57 =	vld [tilespmem:s28+$0x210]  }
0x94: {  	v58 =	vld [tilespmem:s28+$0x220]  }
0x95: {  	v59 =	vld [tilespmem:s28+$0x230]  }
0x96: {  	v60 =	vld [tilespmem:s28+$0x240]  }
0x97: {  	v61 =	vld [tilespmem:s28+$0x250]  }
0x98: {  	v62 =	vld [tilespmem:s28+$0x260]  }
0x99: {  	[tilespmem:v7+s16+$0x0] =	vst.idx.add.f32.msk $0xffff, v8  }
0x9a: {  	[tilespmem:v31+s16+$0x0] =	vst.idx.add.f32.msk $0xffff, v32  }
0x9b: {  	[tilespmem:v1+s16+$0x0] =	vst.idx.add.f32.msk $0xffff, v33  }
0x9c: {  	[tilespmem:v2+s16+$0x0] =	vst.idx.add.f32.msk $0xffff, v34  }
0x9d: {  	[tilespmem:v3+s16+$0x0] =	vst.idx.add.f32.msk $0xffff, v35  }
0x9e: {  	[tilespmem:v4+s16+$0x0] =	vst.idx.add.f32.msk $0xffff, v36  }
0x9f: {  	[tilespmem:v5+s16+$0x0] =	vst.idx.add.f32.msk $0xffff, v37  }
0xa0: {  	[tilespmem:v6+s16+$0x0] =	vst.idx.add.f32.msk $0xffff, v38  }
0xa1: {  	[tilespmem:v9+s16+$0x0] =	vst.idx.add.f32.msk $0xffff, v39  }
0xa2: {  	[tilespmem:v10+s16+$0x0] =	vst.idx.add.f32.msk $0xffff, v40  }
0xa3: {  	[tilespmem:v11+s16+$0x0] =	vst.idx.add.f32.msk $0xffff, v41  }
0xa4: {  	[tilespmem:v12+s16+$0x0] =	vst.idx.add.f32.msk $0xffff, v42  }
0xa5: {  	[tilespmem:v13+s16+$0x0] =	vst.idx.add.f32.msk $0xffff, v44  }
0xa6: {  	[tilespmem:v14+s16+$0x0] =	vst.idx.add.f32.msk $0xffff, v45  }
0xa7: {  	[tilespmem:v15+s16+$0x0] =	vst.idx.add.f32.msk $0xffff, v46  }
0xa8: {  	[tilespmem:v16+s16+$0x0] =	vst.idx.add.f32.msk $0xffff, v47  }
0xa9: {  	[tilespmem:v17+s16+$0x0] =	vst.idx.add.f32.msk $0xffff, v48  }
0xaa: {  	[tilespmem:v18+s16+$0x0] =	vst.idx.add.f32.msk $0xffff, v49  }
0xab: {  	[tilespmem:v19+s16+$0x0] =	vst.idx.add.f32.msk $0xffff, v50  }
0xac: {  	[tilespmem:v20+s16+$0x0] =	vst.idx.add.f32.msk $0xffff, v51  }
0xad: {  	[tilespmem:v21+s16+$0x0] =	vst.idx.add.f32.msk $0xffff, v52  }
0xae: {  	[tilespmem:v22+s16+$0x0] =	vst.idx.add.f32.msk $0xffff, v53  }
0xaf: {  	[tilespmem:v23+s16+$0x0] =	vst.idx.add.f32.msk $0xffff, v54  }
0xb0: {  	[tilespmem:v24+s16+$0x0] =	vst.idx.add.f32.msk $0xffff, v55  }
0xb1: {  	[tilespmem:v25+s16+$0x0] =	vst.idx.add.f32.msk $0xffff, v56  }
0xb2: {  	[tilespmem:v26+s16+$0x0] =	vst.idx.add.f32.msk $0xffff, v57  }
0xb3: {  	[tilespmem:v27+s16+$0x0] =	vst.idx.add.f32.msk $0xffff, v58  }
0xb4: {  	[tilespmem:v28+s16+$0x0] =	vst.idx.add.f32.msk $0xffff, v59  }
0xb5: {  	[tilespmem:v29+s16+$0x0] =	vst.idx.add.f32.msk $0xffff, v60  }
0xb6: {  	s29 =	simm.s32 $0x4400;
	[tilespmem:v30+s16+$0x0] =	vst.idx.add.f32.msk $0xffff, v61  }
0xb7: {  	v8 =	vld [tilespmem:s29+$0x270]  }
0xb8: {  	v32 =	vld [tilespmem:s29+$0xFFFFFC00]  }
0xb9: {  	v33 =	vld [tilespmem:s29+$0xFFFFFC10]  }
0xba: {  	v34 =	vld [tilespmem:s29+$0xFFFFFC20]  }
0xbb: {  	v35 =	vld [tilespmem:s29+$0xFFFFFC30]  }
0xbc: {  	v36 =	vld [tilespmem:s29+$0xFFFFFC40]  }
0xbd: {  	v37 =	vld [tilespmem:s29+$0xFFFFFC50]  }
0xbe: {  	v38 =	vld [tilespmem:s29+$0xFFFFFC60]  }
0xbf: {  	v39 =	vld [tilespmem:s29+$0xFFFFFC70]  }
0xc0: {  	v40 =	vld [tilespmem:s29+$0xFFFFFE00]  }
0xc1: {  	v41 =	vld [tilespmem:s29+$0xFFFFFE10]  }
0xc2: {  	v42 =	vld [tilespmem:s29+$0xFFFFFE20]  }
0xc3: {  	v44 =	vld [tilespmem:s29+$0xFFFFFE40]  }
0xc4: {  	v45 =	vld [tilespmem:s29+$0xFFFFFE50]  }
0xc5: {  	v46 =	vld [tilespmem:s29+$0xFFFFFE60]  }
0xc6: {  	v47 =	vld [tilespmem:s29+$0xFFFFFE70]  }
0xc7: {  	v48 =	vld [tilespmem:s29+$0x0]  }
0xc8: {  	v49 =	vld [tilespmem:s29+$0x10]  }
0xc9: {  	v50 =	vld [tilespmem:s29+$0x20]  }
0xca: {  	v51 =	vld [tilespmem:s29+$0x30]  }
0xcb: {  	v52 =	vld [tilespmem:s29+$0x40]  }
0xcc: {  	v53 =	vld [tilespmem:s29+$0x50]  }
0xcd: {  	v54 =	vld [tilespmem:s29+$0x60]  }
0xce: {  	v55 =	vld [tilespmem:s29+$0x70]  }
0xcf: {  	v56 =	vld [tilespmem:s29+$0x200]  }
0xd0: {  	v57 =	vld [tilespmem:s29+$0x210]  }
0xd1: {  	v58 =	vld [tilespmem:s29+$0x220]  }
0xd2: {  	v59 =	vld [tilespmem:s29+$0x230]  }
0xd3: {  	v60 =	vld [tilespmem:s29+$0x240]  }
0xd4: {  	v61 =	vld [tilespmem:s29+$0x250]  }
0xd5: {  	[tilespmem:v7+s17+$0x0] =	vst.idx.add.f32.msk $0xffff, v8  }
0xd6: {  	v8 =	vld [tilespmem:s0+$0xFFFFFE30]  }
0xd7: {  	v7 =	vld [tilespmem:s0+$0x260]  }
0xd8: {  	[tilespmem:v31+s17+$0x0] =	vst.idx.add.f32.msk $0xffff, v32  }
0xd9: {  	[tilespmem:v1+s17+$0x0] =	vst.idx.add.f32.msk $0xffff, v33  }
0xda: {  	[tilespmem:v2+s17+$0x0] =	vst.idx.add.f32.msk $0xffff, v34  }
0xdb: {  	[tilespmem:v3+s17+$0x0] =	vst.idx.add.f32.msk $0xffff, v35  }
0xdc: {  	[tilespmem:v4+s17+$0x0] =	vst.idx.add.f32.msk $0xffff, v36  }
0xdd: {  	[tilespmem:v5+s17+$0x0] =	vst.idx.add.f32.msk $0xffff, v37  }
0xde: {  	[tilespmem:v6+s17+$0x0] =	vst.idx.add.f32.msk $0xffff, v38  }
0xdf: {  	[tilespmem:v9+s17+$0x0] =	vst.idx.add.f32.msk $0xffff, v39  }
0xe0: {  	[tilespmem:v10+s17+$0x0] =	vst.idx.add.f32.msk $0xffff, v40  }
0xe1: {  	[tilespmem:v11+s17+$0x0] =	vst.idx.add.f32.msk $0xffff, v41  }
0xe2: {  	[tilespmem:v12+s17+$0x0] =	vst.idx.add.f32.msk $0xffff, v42  }
0xe3: {  	[tilespmem:v13+s17+$0x0] =	vst.idx.add.f32.msk $0xffff, v44  }
0xe4: {  	[tilespmem:v14+s17+$0x0] =	vst.idx.add.f32.msk $0xffff, v45  }
0xe5: {  	[tilespmem:v15+s17+$0x0] =	vst.idx.add.f32.msk $0xffff, v46  }
0xe6: {  	[tilespmem:v16+s17+$0x0] =	vst.idx.add.f32.msk $0xffff, v47  }
0xe7: {  	[tilespmem:v17+s17+$0x0] =	vst.idx.add.f32.msk $0xffff, v48  }
0xe8: {  	[tilespmem:v18+s17+$0x0] =	vst.idx.add.f32.msk $0xffff, v49  }
0xe9: {  	[tilespmem:v19+s17+$0x0] =	vst.idx.add.f32.msk $0xffff, v50  }
0xea: {  	[tilespmem:v20+s17+$0x0] =	vst.idx.add.f32.msk $0xffff, v51  }
0xeb: {  	[tilespmem:v21+s17+$0x0] =	vst.idx.add.f32.msk $0xffff, v52  }
0xec: {  	[tilespmem:v22+s17+$0x0] =	vst.idx.add.f32.msk $0xffff, v53  }
0xed: {  	[tilespmem:v23+s17+$0x0] =	vst.idx.add.f32.msk $0xffff, v54  }
0xee: {  	[tilespmem:v24+s17+$0x0] =	vst.idx.add.f32.msk $0xffff, v55  }
0xef: {  	[tilespmem:v25+s17+$0x0] =	vst.idx.add.f32.msk $0xffff, v56  }
0xf0: {  	[tilespmem:v26+s17+$0x0] =	vst.idx.add.f32.msk $0xffff, v57  }
0xf1: {  	[tilespmem:v27+s17+$0x0] =	vst.idx.add.f32.msk $0xffff, v58  }
0xf2: {  	[tilespmem:v8+s16+$0x0] =	vst.idx.add.f32.msk $0xffff, v43  }
0xf3: {  	[tilespmem:v7+s16+$0x0] =	vst.idx.add.f32.msk $0xffff, v62  }
0xf4: {  	v43 =	vld [tilespmem:s29+$0xFFFFFE30]  }
0xf5: {  	v62 =	vld [tilespmem:s29+$0x260]  }
0xf6: {  	[tilespmem:v28+s17+$0x0] =	vst.idx.add.f32.msk $0xffff, v59  }
0xf7: {  	[tilespmem:v29+s17+$0x0] =	vst.idx.add.f32.msk $0xffff, v60  }
0xf8: {  	[tilespmem:v30+s17+$0x0] =	vst.idx.add.f32.msk $0xffff, v61  }
0xf9: {  	s2 =	simm.s32 $0x0;
	s31 =	simm.s32 $0x4480;
	[tilespmem:v8+s17+$0x0] =	vst.idx.add.f32.msk $0xffff, v43  }
0xfa: {  	s1 =	simm.s32 $0x8480;
	s9 =	simm.s32 $0x8C00;
	s0 =	simm.s32 $0x480;
	[tilespmem:v7+s17+$0x0] =	vst.idx.add.f32.msk $0xffff, v62  }
.LBB2_4:
0xfb: {  	v11 =	vld [tilespmem:s9+$0x270];
	s2 =	sadd.s32 $0x20, s2  }
0xfc: {  	v1 =	vld [tilespmem:s9+$0xFFFFFC10];
	p1 =	slt.u32 s2, $0xE0  }
0xfd: {  	s28 =	sadd.s32 $0x800, s28;
	v2 =	vld [tilespmem:s9+$0xFFFFFC20]  }
0xfe: {  	v7 =	vld [tilespmem:s28+$0x270]  }
0xff: {  	v3 =	vld [tilespmem:s9+$0xFFFFFC30]  }
0x100: {  	v4 =	vld [tilespmem:s9+$0xFFFFFC40]  }
0x101: {  	v5 =	vld [tilespmem:s9+$0xFFFFFC50]  }
0x102: {  	v6 =	vld [tilespmem:s9+$0xFFFFFC60]  }
0x103: {  	s29 =	sadd.s32 $0x800, s29;
	[tilespmem:v11+s16+$0x0] =	vst.idx.add.f32.msk $0xffff, v7  }
0x104: {  	v12 =	vld [tilespmem:s29+$0x270]  }
0x105: {  	v7 =	vld [tilespmem:s9+$0xFFFFFC70]  }
0x106: {  	v8 =	vld [tilespmem:s9+$0xFFFFFE00]  }
0x107: {  	v9 =	vld [tilespmem:s9+$0xFFFFFE10]  }
0x108: {  	v10 =	vld [tilespmem:s9+$0xFFFFFE20]  }
0x109: {  	[tilespmem:v11+s17+$0x0] =	vst.idx.add.f32.msk $0xffff, v12  }
0x10a: {  	v11 =	vld [tilespmem:s9+$0xFFFFFE30]  }
0x10b: {  	v12 =	vld [tilespmem:s9+$0xFFFFFE40]  }
0x10c: {  	v13 =	vld [tilespmem:s9+$0xFFFFFE50]  }
0x10d: {  	v14 =	vld [tilespmem:s9+$0xFFFFFE60]  }
0x10e: {  	v15 =	vld [tilespmem:s9+$0xFFFFFE70]  }
0x10f: {  	v16 =	vld [tilespmem:s9+$0x0]  }
0x110: {  	v17 =	vld [tilespmem:s9+$0x10]  }
0x111: {  	v18 =	vld [tilespmem:s9+$0x20]  }
0x112: {  	v19 =	vld [tilespmem:s9+$0x30]  }
0x113: {  	v20 =	vld [tilespmem:s9+$0x40]  }
0x114: {  	v21 =	vld [tilespmem:s9+$0x50]  }
0x115: {  	v22 =	vld [tilespmem:s9+$0x60]  }
0x116: {  	v23 =	vld [tilespmem:s9+$0x70]  }
0x117: {  	v24 =	vld [tilespmem:s9+$0x200]  }
0x118: {  	v25 =	vld [tilespmem:s9+$0x210]  }
0x119: {  	v26 =	vld [tilespmem:s9+$0x220]  }
0x11a: {  	v27 =	vld [tilespmem:s9+$0x230]  }
0x11b: {  	v28 =	vld [tilespmem:s9+$0x240]  }
0x11c: {  	v29 =	vld [tilespmem:s9+$0x250]  }
0x11d: {  	v30 =	vld [tilespmem:s9+$0x260]  }
0x11e: {  	v31 =	vld [tilespmem:s9+$0xFFFFFC00]  }
0x11f: {  	v32 =	vld [tilespmem:s28+$0xFFFFFC00]  }
0x120: {  	v33 =	vld [tilespmem:s28+$0xFFFFFC10]  }
0x121: {  	v34 =	vld [tilespmem:s28+$0xFFFFFC20]  }
0x122: {  	v35 =	vld [tilespmem:s28+$0xFFFFFC30]  }
0x123: {  	v36 =	vld [tilespmem:s28+$0xFFFFFC40]  }
0x124: {  	v37 =	vld [tilespmem:s28+$0xFFFFFC50]  }
0x125: {  	v38 =	vld [tilespmem:s28+$0xFFFFFC60]  }
0x126: {  	v39 =	vld [tilespmem:s28+$0xFFFFFC70]  }
0x127: {  	v40 =	vld [tilespmem:s28+$0xFFFFFE00]  }
0x128: {  	v41 =	vld [tilespmem:s28+$0xFFFFFE10]  }
0x129: {  	v42 =	vld [tilespmem:s28+$0xFFFFFE20]  }
0x12a: {  	v43 =	vld [tilespmem:s28+$0xFFFFFE30]  }
0x12b: {  	v44 =	vld [tilespmem:s28+$0xFFFFFE40]  }
0x12c: {  	v45 =	vld [tilespmem:s28+$0xFFFFFE50]  }
0x12d: {  	v46 =	vld [tilespmem:s28+$0xFFFFFE60]  }
0x12e: {  	v47 =	vld [tilespmem:s28+$0xFFFFFE70]  }
0x12f: {  	v48 =	vld [tilespmem:s28+$0x0]  }
0x130: {  	v49 =	vld [tilespmem:s28+$0x10]  }
0x131: {  	v50 =	vld [tilespmem:s28+$0x20]  }
0x132: {  	v51 =	vld [tilespmem:s28+$0x30]  }
0x133: {  	v52 =	vld [tilespmem:s28+$0x40]  }
0x134: {  	v53 =	vld [tilespmem:s28+$0x50]  }
0x135: {  	v54 =	vld [tilespmem:s28+$0x60]  }
0x136: {  	v55 =	vld [tilespmem:s28+$0x70]  }
0x137: {  	v56 =	vld [tilespmem:s28+$0x200]  }
0x138: {  	v57 =	vld [tilespmem:s28+$0x210]  }
0x139: {  	v58 =	vld [tilespmem:s28+$0x220]  }
0x13a: {  	v59 =	vld [tilespmem:s28+$0x230]  }
0x13b: {  	v60 =	vld [tilespmem:s28+$0x240]  }
0x13c: {  	v61 =	vld [tilespmem:s28+$0x250]  }
0x13d: {  	v62 =	vld [tilespmem:s28+$0x260]  }
0x13e: {  	[tilespmem:v31+s16+$0x0] =	vst.idx.add.f32.msk $0xffff, v32  }
0x13f: {  	[tilespmem:v1+s16+$0x0] =	vst.idx.add.f32.msk $0xffff, v33  }
0x140: {  	[tilespmem:v2+s16+$0x0] =	vst.idx.add.f32.msk $0xffff, v34  }
0x141: {  	[tilespmem:v3+s16+$0x0] =	vst.idx.add.f32.msk $0xffff, v35  }
0x142: {  	[tilespmem:v4+s16+$0x0] =	vst.idx.add.f32.msk $0xffff, v36  }
0x143: {  	[tilespmem:v5+s16+$0x0] =	vst.idx.add.f32.msk $0xffff, v37  }
0x144: {  	[tilespmem:v6+s16+$0x0] =	vst.idx.add.f32.msk $0xffff, v38  }
0x145: {  	[tilespmem:v7+s16+$0x0] =	vst.idx.add.f32.msk $0xffff, v39  }
0x146: {  	[tilespmem:v8+s16+$0x0] =	vst.idx.add.f32.msk $0xffff, v40  }
0x147: {  	[tilespmem:v9+s16+$0x0] =	vst.idx.add.f32.msk $0xffff, v41  }
0x148: {  	[tilespmem:v10+s16+$0x0] =	vst.idx.add.f32.msk $0xffff, v42  }
0x149: {  	[tilespmem:v11+s16+$0x0] =	vst.idx.add.f32.msk $0xffff, v43  }
0x14a: {  	[tilespmem:v12+s16+$0x0] =	vst.idx.add.f32.msk $0xffff, v44  }
0x14b: {  	[tilespmem:v13+s16+$0x0] =	vst.idx.add.f32.msk $0xffff, v45  }
0x14c: {  	[tilespmem:v14+s16+$0x0] =	vst.idx.add.f32.msk $0xffff, v46  }
0x14d: {  	[tilespmem:v15+s16+$0x0] =	vst.idx.add.f32.msk $0xffff, v47  }
0x14e: {  	[tilespmem:v16+s16+$0x0] =	vst.idx.add.f32.msk $0xffff, v48  }
0x14f: {  	[tilespmem:v17+s16+$0x0] =	vst.idx.add.f32.msk $0xffff, v49  }
0x150: {  	[tilespmem:v18+s16+$0x0] =	vst.idx.add.f32.msk $0xffff, v50  }
0x151: {  	[tilespmem:v19+s16+$0x0] =	vst.idx.add.f32.msk $0xffff, v51  }
0x152: {  	[tilespmem:v20+s16+$0x0] =	vst.idx.add.f32.msk $0xffff, v52  }
0x153: {  	[tilespmem:v21+s16+$0x0] =	vst.idx.add.f32.msk $0xffff, v53  }
0x154: {  	[tilespmem:v22+s16+$0x0] =	vst.idx.add.f32.msk $0xffff, v54  }
0x155: {  	[tilespmem:v23+s16+$0x0] =	vst.idx.add.f32.msk $0xffff, v55  }
0x156: {  	[tilespmem:v24+s16+$0x0] =	vst.idx.add.f32.msk $0xffff, v56  }
0x157: {  	[tilespmem:v25+s16+$0x0] =	vst.idx.add.f32.msk $0xffff, v57  }
0x158: {  	[tilespmem:v26+s16+$0x0] =	vst.idx.add.f32.msk $0xffff, v58  }
0x159: {  	[tilespmem:v27+s16+$0x0] =	vst.idx.add.f32.msk $0xffff, v59  }
0x15a: {  	[tilespmem:v28+s16+$0x0] =	vst.idx.add.f32.msk $0xffff, v60  }
0x15b: {  	[tilespmem:v29+s16+$0x0] =	vst.idx.add.f32.msk $0xffff, v61  }
0x15c: {  	[tilespmem:v30+s16+$0x0] =	vst.idx.add.f32.msk $0xffff, v62  }
0x15d: {  	v32 =	vld [tilespmem:s29+$0xFFFFFC00]  }
0x15e: {  	v33 =	vld [tilespmem:s29+$0xFFFFFC10]  }
0x15f: {  	v34 =	vld [tilespmem:s29+$0xFFFFFC20]  }
0x160: {  	v35 =	vld [tilespmem:s29+$0xFFFFFC30]  }
0x161: {  	v36 =	vld [tilespmem:s29+$0xFFFFFC40]  }
0x162: {  	v37 =	vld [tilespmem:s29+$0xFFFFFC50]  }
0x163: {  	v38 =	vld [tilespmem:s29+$0xFFFFFC60]  }
0x164: {  	v39 =	vld [tilespmem:s29+$0xFFFFFC70]  }
0x165: {  	v40 =	vld [tilespmem:s29+$0xFFFFFE00]  }
0x166: {  	v41 =	vld [tilespmem:s29+$0xFFFFFE10]  }
0x167: {  	v42 =	vld [tilespmem:s29+$0xFFFFFE20]  }
0x168: {  	v43 =	vld [tilespmem:s29+$0xFFFFFE30]  }
0x169: {  	v44 =	vld [tilespmem:s29+$0xFFFFFE40]  }
0x16a: {  	v45 =	vld [tilespmem:s29+$0xFFFFFE50]  }
0x16b: {  	v46 =	vld [tilespmem:s29+$0xFFFFFE60]  }
0x16c: {  	v47 =	vld [tilespmem:s29+$0xFFFFFE70]  }
0x16d: {  	v48 =	vld [tilespmem:s29+$0x0]  }
0x16e: {  	v49 =	vld [tilespmem:s29+$0x10]  }
0x16f: {  	v50 =	vld [tilespmem:s29+$0x20]  }
0x170: {  	v51 =	vld [tilespmem:s29+$0x30]  }
0x171: {  	v52 =	vld [tilespmem:s29+$0x40]  }
0x172: {  	v53 =	vld [tilespmem:s29+$0x50]  }
0x173: {  	v54 =	vld [tilespmem:s29+$0x60]  }
0x174: {  	v55 =	vld [tilespmem:s29+$0x70]  }
0x175: {  	v56 =	vld [tilespmem:s29+$0x200]  }
0x176: {  	v57 =	vld [tilespmem:s29+$0x210]  }
0x177: {  	v58 =	vld [tilespmem:s29+$0x220]  }
0x178: {  	v59 =	vld [tilespmem:s29+$0x230]  }
0x179: {  	v60 =	vld [tilespmem:s29+$0x240]  }
0x17a: {  	v61 =	vld [tilespmem:s29+$0x250]  }
0x17b: {  	v62 =	vld [tilespmem:s29+$0x260]  }
0x17c: {  	[tilespmem:v31+s17+$0x0] =	vst.idx.add.f32.msk $0xffff, v32  }
0x17d: {  	[tilespmem:v1+s17+$0x0] =	vst.idx.add.f32.msk $0xffff, v33  }
0x17e: {  	[tilespmem:v2+s17+$0x0] =	vst.idx.add.f32.msk $0xffff, v34  }
0x17f: {  	[tilespmem:v3+s17+$0x0] =	vst.idx.add.f32.msk $0xffff, v35  }
0x180: {  	[tilespmem:v4+s17+$0x0] =	vst.idx.add.f32.msk $0xffff, v36  }
0x181: {  	[tilespmem:v5+s17+$0x0] =	vst.idx.add.f32.msk $0xffff, v37  }
0x182: {  	[tilespmem:v6+s17+$0x0] =	vst.idx.add.f32.msk $0xffff, v38  }
0x183: {  	[tilespmem:v7+s17+$0x0] =	vst.idx.add.f32.msk $0xffff, v39  }
0x184: {  	[tilespmem:v8+s17+$0x0] =	vst.idx.add.f32.msk $0xffff, v40  }
0x185: {  	[tilespmem:v9+s17+$0x0] =	vst.idx.add.f32.msk $0xffff, v41  }
0x186: {  	[tilespmem:v10+s17+$0x0] =	vst.idx.add.f32.msk $0xffff, v42  }
0x187: {  	[tilespmem:v11+s17+$0x0] =	vst.idx.add.f32.msk $0xffff, v43  }
0x188: {  	[tilespmem:v12+s17+$0x0] =	vst.idx.add.f32.msk $0xffff, v44  }
0x189: {  	[tilespmem:v13+s17+$0x0] =	vst.idx.add.f32.msk $0xffff, v45  }
0x18a: {  	[tilespmem:v14+s17+$0x0] =	vst.idx.add.f32.msk $0xffff, v46  }
0x18b: {  	[tilespmem:v15+s17+$0x0] =	vst.idx.add.f32.msk $0xffff, v47  }
0x18c: {  	[tilespmem:v16+s17+$0x0] =	vst.idx.add.f32.msk $0xffff, v48  }
0x18d: {  	[tilespmem:v17+s17+$0x0] =	vst.idx.add.f32.msk $0xffff, v49  }
0x18e: {  	[tilespmem:v18+s17+$0x0] =	vst.idx.add.f32.msk $0xffff, v50  }
0x18f: {  	[tilespmem:v19+s17+$0x0] =	vst.idx.add.f32.msk $0xffff, v51  }
0x190: {  	[tilespmem:v20+s17+$0x0] =	vst.idx.add.f32.msk $0xffff, v52  }
0x191: {  	[tilespmem:v21+s17+$0x0] =	vst.idx.add.f32.msk $0xffff, v53  }
0x192: {  	[tilespmem:v22+s17+$0x0] =	vst.idx.add.f32.msk $0xffff, v54  }
0x193: {  	[tilespmem:v23+s17+$0x0] =	vst.idx.add.f32.msk $0xffff, v55  }
0x194: {  	[tilespmem:v24+s17+$0x0] =	vst.idx.add.f32.msk $0xffff, v56  }
0x195: {  	[tilespmem:v25+s17+$0x0] =	vst.idx.add.f32.msk $0xffff, v57  }
.Ltmp3:
0x196: {  	[tilespmem:v26+s17+$0x0] =	vst.idx.add.f32.msk $0xffff, v58;
	(pc) =	sbr.rel @p1 .LBB2_4-.Ltmp3, $4  }
0x197: {  	[tilespmem:v27+s17+$0x0] =	vst.idx.add.f32.msk $0xffff, v59  }
0x198: {  	[tilespmem:v28+s17+$0x0] =	vst.idx.add.f32.msk $0xffff, v60  }
0x199: {  	[tilespmem:v29+s17+$0x0] =	vst.idx.add.f32.msk $0xffff, v61  }
0x19a: {  	s9 =	sadd.s32 $0x800, s9;
	[tilespmem:v30+s17+$0x0] =	vst.idx.add.f32.msk $0xffff, v62  }
0x19b: {  	v3 =	vld [tilespmem:s1+$0x270]  }
0x19c: {  	v1 =	vld [tilespmem:s1+$0xFFFFFC10]  }
0x19d: {  	v2 =	vld [tilespmem:s1+$0xFFFFFC20]  }
0x19e: {  	v4 =	vld [tilespmem:s0+$0x270]  }
0x19f: {  	v5 =	vld [tilespmem:s1+$0xFFFFFC30]  }
0x1a0: {  	v6 =	vld [tilespmem:s1+$0xFFFFFC40]  }
0x1a1: {  	v7 =	vld [tilespmem:s1+$0xFFFFFC50]  }
0x1a2: {  	v8 =	vld [tilespmem:s1+$0xFFFFFC60]  }
0x1a3: {  	v9 =	vld [tilespmem:s1+$0xFFFFFC70]  }
0x1a4: {  	v10 =	vld [tilespmem:s1+$0xFFFFFE00]  }
0x1a5: {  	v11 =	vld [tilespmem:s1+$0xFFFFFE10]  }
0x1a6: {  	v12 =	vld [tilespmem:s1+$0xFFFFFE20]  }
0x1a7: {  	v13 =	vld [tilespmem:s1+$0xFFFFFE40]  }
0x1a8: {  	v14 =	vld [tilespmem:s1+$0xFFFFFE50]  }
0x1a9: {  	v15 =	vld [tilespmem:s1+$0xFFFFFE60]  }
0x1aa: {  	v16 =	vld [tilespmem:s1+$0xFFFFFE70]  }
0x1ab: {  	v17 =	vld [tilespmem:s1+$0x0]  }
0x1ac: {  	v18 =	vld [tilespmem:s1+$0x10]  }
0x1ad: {  	v19 =	vld [tilespmem:s1+$0x20]  }
0x1ae: {  	v20 =	vld [tilespmem:s1+$0x30]  }
0x1af: {  	v21 =	vld [tilespmem:s1+$0x40]  }
0x1b0: {  	v22 =	vld [tilespmem:s1+$0x50]  }
0x1b1: {  	v23 =	vld [tilespmem:s1+$0x60]  }
0x1b2: {  	v24 =	vld [tilespmem:s1+$0x70]  }
0x1b3: {  	v25 =	vld [tilespmem:s1+$0x200]  }
0x1b4: {  	v26 =	vld [tilespmem:s1+$0x210]  }
0x1b5: {  	v27 =	vld [tilespmem:s1+$0x220]  }
0x1b6: {  	v28 =	vld [tilespmem:s1+$0x230]  }
0x1b7: {  	v29 =	vld [tilespmem:s1+$0x240]  }
0x1b8: {  	v30 =	vld [tilespmem:s1+$0x250]  }
0x1b9: {  	v31 =	vld [tilespmem:s1+$0xFFFFFC00]  }
0x1ba: {  	v32 =	vld [tilespmem:s0+$0xFFFFFC00]  }
0x1bb: {  	v33 =	vld [tilespmem:s0+$0xFFFFFC10]  }
0x1bc: {  	v34 =	vld [tilespmem:s0+$0xFFFFFC20]  }
0x1bd: {  	v35 =	vld [tilespmem:s0+$0xFFFFFC30]  }
0x1be: {  	v36 =	vld [tilespmem:s0+$0xFFFFFC40]  }
0x1bf: {  	v37 =	vld [tilespmem:s0+$0xFFFFFC50]  }
0x1c0: {  	v38 =	vld [tilespmem:s0+$0xFFFFFC60]  }
0x1c1: {  	v39 =	vld [tilespmem:s0+$0xFFFFFC70]  }
0x1c2: {  	v40 =	vld [tilespmem:s0+$0xFFFFFE00]  }
0x1c3: {  	v41 =	vld [tilespmem:s0+$0xFFFFFE10]  }
0x1c4: {  	v42 =	vld [tilespmem:s0+$0xFFFFFE20]  }
0x1c5: {  	v43 =	vld [tilespmem:s0+$0xFFFFFE30]  }
0x1c6: {  	v44 =	vld [tilespmem:s0+$0xFFFFFE40]  }
0x1c7: {  	v45 =	vld [tilespmem:s0+$0xFFFFFE50]  }
0x1c8: {  	v46 =	vld [tilespmem:s0+$0xFFFFFE60]  }
0x1c9: {  	v47 =	vld [tilespmem:s0+$0xFFFFFE70]  }
0x1ca: {  	v48 =	vld [tilespmem:s0+$0x0]  }
0x1cb: {  	v49 =	vld [tilespmem:s0+$0x10]  }
0x1cc: {  	v50 =	vld [tilespmem:s0+$0x20]  }
0x1cd: {  	v51 =	vld [tilespmem:s0+$0x30]  }
0x1ce: {  	v52 =	vld [tilespmem:s0+$0x40]  }
0x1cf: {  	v53 =	vld [tilespmem:s0+$0x50]  }
0x1d0: {  	v54 =	vld [tilespmem:s0+$0x60]  }
0x1d1: {  	v55 =	vld [tilespmem:s0+$0x70]  }
0x1d2: {  	v56 =	vld [tilespmem:s0+$0x200]  }
0x1d3: {  	v57 =	vld [tilespmem:s0+$0x210]  }
0x1d4: {  	v58 =	vld [tilespmem:s0+$0x220]  }
0x1d5: {  	v59 =	vld [tilespmem:s0+$0x230]  }
0x1d6: {  	v60 =	vld [tilespmem:s0+$0x240]  }
0x1d7: {  	v61 =	vld [tilespmem:s0+$0x250]  }
0x1d8: {  	v62 =	vld [tilespmem:s0+$0x260]  }
0x1d9: {  	[tilespmem:v3+s18+$0x0] =	vst.idx.add.f32.msk $0xffff, v4  }
0x1da: {  	[tilespmem:v31+s18+$0x0] =	vst.idx.add.f32.msk $0xffff, v32  }
0x1db: {  	[tilespmem:v1+s18+$0x0] =	vst.idx.add.f32.msk $0xffff, v33  }
0x1dc: {  	[tilespmem:v2+s18+$0x0] =	vst.idx.add.f32.msk $0xffff, v34  }
0x1dd: {  	[tilespmem:v5+s18+$0x0] =	vst.idx.add.f32.msk $0xffff, v35  }
0x1de: {  	[tilespmem:v6+s18+$0x0] =	vst.idx.add.f32.msk $0xffff, v36  }
0x1df: {  	[tilespmem:v7+s18+$0x0] =	vst.idx.add.f32.msk $0xffff, v37  }
0x1e0: {  	[tilespmem:v8+s18+$0x0] =	vst.idx.add.f32.msk $0xffff, v38  }
0x1e1: {  	[tilespmem:v9+s18+$0x0] =	vst.idx.add.f32.msk $0xffff, v39  }
0x1e2: {  	[tilespmem:v10+s18+$0x0] =	vst.idx.add.f32.msk $0xffff, v40  }
0x1e3: {  	[tilespmem:v11+s18+$0x0] =	vst.idx.add.f32.msk $0xffff, v41  }
0x1e4: {  	[tilespmem:v12+s18+$0x0] =	vst.idx.add.f32.msk $0xffff, v42  }
0x1e5: {  	[tilespmem:v13+s18+$0x0] =	vst.idx.add.f32.msk $0xffff, v44  }
0x1e6: {  	[tilespmem:v14+s18+$0x0] =	vst.idx.add.f32.msk $0xffff, v45  }
0x1e7: {  	[tilespmem:v15+s18+$0x0] =	vst.idx.add.f32.msk $0xffff, v46  }
0x1e8: {  	[tilespmem:v16+s18+$0x0] =	vst.idx.add.f32.msk $0xffff, v47  }
0x1e9: {  	[tilespmem:v17+s18+$0x0] =	vst.idx.add.f32.msk $0xffff, v48  }
0x1ea: {  	[tilespmem:v18+s18+$0x0] =	vst.idx.add.f32.msk $0xffff, v49  }
0x1eb: {  	[tilespmem:v19+s18+$0x0] =	vst.idx.add.f32.msk $0xffff, v50  }
0x1ec: {  	[tilespmem:v20+s18+$0x0] =	vst.idx.add.f32.msk $0xffff, v51  }
0x1ed: {  	[tilespmem:v21+s18+$0x0] =	vst.idx.add.f32.msk $0xffff, v52  }
0x1ee: {  	[tilespmem:v22+s18+$0x0] =	vst.idx.add.f32.msk $0xffff, v53  }
0x1ef: {  	[tilespmem:v23+s18+$0x0] =	vst.idx.add.f32.msk $0xffff, v54  }
0x1f0: {  	[tilespmem:v24+s18+$0x0] =	vst.idx.add.f32.msk $0xffff, v55  }
0x1f1: {  	[tilespmem:v25+s18+$0x0] =	vst.idx.add.f32.msk $0xffff, v56  }
0x1f2: {  	[tilespmem:v26+s18+$0x0] =	vst.idx.add.f32.msk $0xffff, v57  }
0x1f3: {  	[tilespmem:v27+s18+$0x0] =	vst.idx.add.f32.msk $0xffff, v58  }
0x1f4: {  	[tilespmem:v28+s18+$0x0] =	vst.idx.add.f32.msk $0xffff, v59  }
0x1f5: {  	[tilespmem:v29+s18+$0x0] =	vst.idx.add.f32.msk $0xffff, v60  }
0x1f6: {  	[tilespmem:v30+s18+$0x0] =	vst.idx.add.f32.msk $0xffff, v61  }
0x1f7: {  	v4 =	vld [tilespmem:s31+$0x270]  }
0x1f8: {  	v32 =	vld [tilespmem:s31+$0xFFFFFC00]  }
0x1f9: {  	v33 =	vld [tilespmem:s31+$0xFFFFFC10]  }
0x1fa: {  	v34 =	vld [tilespmem:s31+$0xFFFFFC20]  }
0x1fb: {  	v35 =	vld [tilespmem:s31+$0xFFFFFC30]  }
0x1fc: {  	v36 =	vld [tilespmem:s31+$0xFFFFFC40]  }
0x1fd: {  	v37 =	vld [tilespmem:s31+$0xFFFFFC50]  }
0x1fe: {  	v38 =	vld [tilespmem:s31+$0xFFFFFC60]  }
0x1ff: {  	v39 =	vld [tilespmem:s31+$0xFFFFFC70]  }
0x200: {  	v40 =	vld [tilespmem:s31+$0xFFFFFE00]  }
0x201: {  	v41 =	vld [tilespmem:s31+$0xFFFFFE10]  }
0x202: {  	v42 =	vld [tilespmem:s31+$0xFFFFFE20]  }
0x203: {  	v44 =	vld [tilespmem:s31+$0xFFFFFE40]  }
0x204: {  	v45 =	vld [tilespmem:s31+$0xFFFFFE50]  }
0x205: {  	v46 =	vld [tilespmem:s31+$0xFFFFFE60]  }
0x206: {  	v47 =	vld [tilespmem:s31+$0xFFFFFE70]  }
0x207: {  	v48 =	vld [tilespmem:s31+$0x0]  }
0x208: {  	v49 =	vld [tilespmem:s31+$0x10]  }
0x209: {  	v50 =	vld [tilespmem:s31+$0x20]  }
0x20a: {  	v51 =	vld [tilespmem:s31+$0x30]  }
0x20b: {  	v52 =	vld [tilespmem:s31+$0x40]  }
0x20c: {  	v53 =	vld [tilespmem:s31+$0x50]  }
0x20d: {  	v54 =	vld [tilespmem:s31+$0x60]  }
0x20e: {  	v55 =	vld [tilespmem:s31+$0x70]  }
0x20f: {  	v56 =	vld [tilespmem:s31+$0x200]  }
0x210: {  	v57 =	vld [tilespmem:s31+$0x210]  }
0x211: {  	v58 =	vld [tilespmem:s31+$0x220]  }
0x212: {  	v59 =	vld [tilespmem:s31+$0x230]  }
0x213: {  	v60 =	vld [tilespmem:s31+$0x240]  }
0x214: {  	v61 =	vld [tilespmem:s31+$0x250]  }
0x215: {  	[tilespmem:v3+s19+$0x0] =	vst.idx.add.f32.msk $0xffff, v4  }
0x216: {  	v4 =	vld [tilespmem:s1+$0xFFFFFE30]  }
0x217: {  	v3 =	vld [tilespmem:s1+$0x260]  }
0x218: {  	[tilespmem:v31+s19+$0x0] =	vst.idx.add.f32.msk $0xffff, v32  }
0x219: {  	[tilespmem:v1+s19+$0x0] =	vst.idx.add.f32.msk $0xffff, v33  }
0x21a: {  	[tilespmem:v2+s19+$0x0] =	vst.idx.add.f32.msk $0xffff, v34  }
0x21b: {  	[tilespmem:v5+s19+$0x0] =	vst.idx.add.f32.msk $0xffff, v35  }
0x21c: {  	[tilespmem:v6+s19+$0x0] =	vst.idx.add.f32.msk $0xffff, v36  }
0x21d: {  	[tilespmem:v7+s19+$0x0] =	vst.idx.add.f32.msk $0xffff, v37  }
0x21e: {  	[tilespmem:v8+s19+$0x0] =	vst.idx.add.f32.msk $0xffff, v38  }
0x21f: {  	[tilespmem:v9+s19+$0x0] =	vst.idx.add.f32.msk $0xffff, v39  }
0x220: {  	[tilespmem:v10+s19+$0x0] =	vst.idx.add.f32.msk $0xffff, v40  }
0x221: {  	[tilespmem:v11+s19+$0x0] =	vst.idx.add.f32.msk $0xffff, v41  }
0x222: {  	[tilespmem:v12+s19+$0x0] =	vst.idx.add.f32.msk $0xffff, v42  }
0x223: {  	[tilespmem:v13+s19+$0x0] =	vst.idx.add.f32.msk $0xffff, v44  }
0x224: {  	[tilespmem:v14+s19+$0x0] =	vst.idx.add.f32.msk $0xffff, v45  }
0x225: {  	[tilespmem:v15+s19+$0x0] =	vst.idx.add.f32.msk $0xffff, v46  }
0x226: {  	[tilespmem:v16+s19+$0x0] =	vst.idx.add.f32.msk $0xffff, v47  }
0x227: {  	[tilespmem:v17+s19+$0x0] =	vst.idx.add.f32.msk $0xffff, v48  }
0x228: {  	[tilespmem:v18+s19+$0x0] =	vst.idx.add.f32.msk $0xffff, v49  }
0x229: {  	[tilespmem:v19+s19+$0x0] =	vst.idx.add.f32.msk $0xffff, v50  }
0x22a: {  	[tilespmem:v20+s19+$0x0] =	vst.idx.add.f32.msk $0xffff, v51  }
0x22b: {  	[tilespmem:v21+s19+$0x0] =	vst.idx.add.f32.msk $0xffff, v52  }
0x22c: {  	[tilespmem:v22+s19+$0x0] =	vst.idx.add.f32.msk $0xffff, v53  }
0x22d: {  	[tilespmem:v23+s19+$0x0] =	vst.idx.add.f32.msk $0xffff, v54  }
0x22e: {  	[tilespmem:v24+s19+$0x0] =	vst.idx.add.f32.msk $0xffff, v55  }
0x22f: {  	[tilespmem:v25+s19+$0x0] =	vst.idx.add.f32.msk $0xffff, v56  }
0x230: {  	[tilespmem:v26+s19+$0x0] =	vst.idx.add.f32.msk $0xffff, v57  }
0x231: {  	[tilespmem:v27+s19+$0x0] =	vst.idx.add.f32.msk $0xffff, v58  }
0x232: {  	[tilespmem:v4+s18+$0x0] =	vst.idx.add.f32.msk $0xffff, v43  }
0x233: {  	[tilespmem:v3+s18+$0x0] =	vst.idx.add.f32.msk $0xffff, v62  }
0x234: {  	v43 =	vld [tilespmem:s31+$0xFFFFFE30]  }
0x235: {  	v62 =	vld [tilespmem:s31+$0x260]  }
0x236: {  	[tilespmem:v28+s19+$0x0] =	vst.idx.add.f32.msk $0xffff, v59  }
0x237: {  	[tilespmem:v29+s19+$0x0] =	vst.idx.add.f32.msk $0xffff, v60  }
0x238: {  	[tilespmem:v30+s19+$0x0] =	vst.idx.add.f32.msk $0xffff, v61  }
0x239: {  	s2 =	simm.s32 $0x0;
	s28 =	simm.s32 $0x4500;
	[tilespmem:v4+s19+$0x0] =	vst.idx.add.f32.msk $0xffff, v43  }
0x23a: {  	s29 =	simm.s32 $0x500;
	s9 =	simm.s32 $0x8C80;
	s1 =	simm.s32 $0x8500;
	[tilespmem:v3+s19+$0x0] =	vst.idx.add.f32.msk $0xffff, v62  }
.LBB2_6:
0x23b: {  	v11 =	vld [tilespmem:s9+$0x270];
	s2 =	sadd.s32 $0x20, s2  }
0x23c: {  	v1 =	vld [tilespmem:s9+$0xFFFFFC10];
	p1 =	slt.u32 s2, $0xE0  }
0x23d: {  	s0 =	sadd.s32 $0x800, s0;
	v2 =	vld [tilespmem:s9+$0xFFFFFC20]  }
0x23e: {  	v7 =	vld [tilespmem:s0+$0x270]  }
0x23f: {  	v3 =	vld [tilespmem:s9+$0xFFFFFC30]  }
0x240: {  	v4 =	vld [tilespmem:s9+$0xFFFFFC40]  }
0x241: {  	v5 =	vld [tilespmem:s9+$0xFFFFFC50]  }
0x242: {  	v6 =	vld [tilespmem:s9+$0xFFFFFC60]  }
0x243: {  	s31 =	sadd.s32 $0x800, s31;
	[tilespmem:v11+s18+$0x0] =	vst.idx.add.f32.msk $0xffff, v7  }
0x244: {  	v12 =	vld [tilespmem:s31+$0x270]  }
0x245: {  	v7 =	vld [tilespmem:s9+$0xFFFFFC70]  }
0x246: {  	v8 =	vld [tilespmem:s9+$0xFFFFFE00]  }
0x247: {  	v9 =	vld [tilespmem:s9+$0xFFFFFE10]  }
0x248: {  	v10 =	vld [tilespmem:s9+$0xFFFFFE20]  }
0x249: {  	[tilespmem:v11+s19+$0x0] =	vst.idx.add.f32.msk $0xffff, v12  }
0x24a: {  	v11 =	vld [tilespmem:s9+$0xFFFFFE30]  }
0x24b: {  	v12 =	vld [tilespmem:s9+$0xFFFFFE40]  }
0x24c: {  	v13 =	vld [tilespmem:s9+$0xFFFFFE50]  }
0x24d: {  	v14 =	vld [tilespmem:s9+$0xFFFFFE60]  }
0x24e: {  	v15 =	vld [tilespmem:s9+$0xFFFFFE70]  }
0x24f: {  	v16 =	vld [tilespmem:s9+$0x0]  }
0x250: {  	v17 =	vld [tilespmem:s9+$0x10]  }
0x251: {  	v18 =	vld [tilespmem:s9+$0x20]  }
0x252: {  	v19 =	vld [tilespmem:s9+$0x30]  }
0x253: {  	v20 =	vld [tilespmem:s9+$0x40]  }
0x254: {  	v21 =	vld [tilespmem:s9+$0x50]  }
0x255: {  	v22 =	vld [tilespmem:s9+$0x60]  }
0x256: {  	v23 =	vld [tilespmem:s9+$0x70]  }
0x257: {  	v24 =	vld [tilespmem:s9+$0x200]  }
0x258: {  	v25 =	vld [tilespmem:s9+$0x210]  }
0x259: {  	v26 =	vld [tilespmem:s9+$0x220]  }
0x25a: {  	v27 =	vld [tilespmem:s9+$0x230]  }
0x25b: {  	v28 =	vld [tilespmem:s9+$0x240]  }
0x25c: {  	v29 =	vld [tilespmem:s9+$0x250]  }
0x25d: {  	v30 =	vld [tilespmem:s9+$0x260]  }
0x25e: {  	v31 =	vld [tilespmem:s9+$0xFFFFFC00]  }
0x25f: {  	v32 =	vld [tilespmem:s0+$0xFFFFFC00]  }
0x260: {  	v33 =	vld [tilespmem:s0+$0xFFFFFC10]  }
0x261: {  	v34 =	vld [tilespmem:s0+$0xFFFFFC20]  }
0x262: {  	v35 =	vld [tilespmem:s0+$0xFFFFFC30]  }
0x263: {  	v36 =	vld [tilespmem:s0+$0xFFFFFC40]  }
0x264: {  	v37 =	vld [tilespmem:s0+$0xFFFFFC50]  }
0x265: {  	v38 =	vld [tilespmem:s0+$0xFFFFFC60]  }
0x266: {  	v39 =	vld [tilespmem:s0+$0xFFFFFC70]  }
0x267: {  	v40 =	vld [tilespmem:s0+$0xFFFFFE00]  }
0x268: {  	v41 =	vld [tilespmem:s0+$0xFFFFFE10]  }
0x269: {  	v42 =	vld [tilespmem:s0+$0xFFFFFE20]  }
0x26a: {  	v43 =	vld [tilespmem:s0+$0xFFFFFE30]  }
0x26b: {  	v44 =	vld [tilespmem:s0+$0xFFFFFE40]  }
0x26c: {  	v45 =	vld [tilespmem:s0+$0xFFFFFE50]  }
0x26d: {  	v46 =	vld [tilespmem:s0+$0xFFFFFE60]  }
0x26e: {  	v47 =	vld [tilespmem:s0+$0xFFFFFE70]  }
0x26f: {  	v48 =	vld [tilespmem:s0+$0x0]  }
0x270: {  	v49 =	vld [tilespmem:s0+$0x10]  }
0x271: {  	v50 =	vld [tilespmem:s0+$0x20]  }
0x272: {  	v51 =	vld [tilespmem:s0+$0x30]  }
0x273: {  	v52 =	vld [tilespmem:s0+$0x40]  }
0x274: {  	v53 =	vld [tilespmem:s0+$0x50]  }
0x275: {  	v54 =	vld [tilespmem:s0+$0x60]  }
0x276: {  	v55 =	vld [tilespmem:s0+$0x70]  }
0x277: {  	v56 =	vld [tilespmem:s0+$0x200]  }
0x278: {  	v57 =	vld [tilespmem:s0+$0x210]  }
0x279: {  	v58 =	vld [tilespmem:s0+$0x220]  }
0x27a: {  	v59 =	vld [tilespmem:s0+$0x230]  }
0x27b: {  	v60 =	vld [tilespmem:s0+$0x240]  }
0x27c: {  	v61 =	vld [tilespmem:s0+$0x250]  }
0x27d: {  	v62 =	vld [tilespmem:s0+$0x260]  }
0x27e: {  	[tilespmem:v31+s18+$0x0] =	vst.idx.add.f32.msk $0xffff, v32  }
0x27f: {  	[tilespmem:v1+s18+$0x0] =	vst.idx.add.f32.msk $0xffff, v33  }
0x280: {  	[tilespmem:v2+s18+$0x0] =	vst.idx.add.f32.msk $0xffff, v34  }
0x281: {  	[tilespmem:v3+s18+$0x0] =	vst.idx.add.f32.msk $0xffff, v35  }
0x282: {  	[tilespmem:v4+s18+$0x0] =	vst.idx.add.f32.msk $0xffff, v36  }
0x283: {  	[tilespmem:v5+s18+$0x0] =	vst.idx.add.f32.msk $0xffff, v37  }
0x284: {  	[tilespmem:v6+s18+$0x0] =	vst.idx.add.f32.msk $0xffff, v38  }
0x285: {  	[tilespmem:v7+s18+$0x0] =	vst.idx.add.f32.msk $0xffff, v39  }
0x286: {  	[tilespmem:v8+s18+$0x0] =	vst.idx.add.f32.msk $0xffff, v40  }
0x287: {  	[tilespmem:v9+s18+$0x0] =	vst.idx.add.f32.msk $0xffff, v41  }
0x288: {  	[tilespmem:v10+s18+$0x0] =	vst.idx.add.f32.msk $0xffff, v42  }
0x289: {  	[tilespmem:v11+s18+$0x0] =	vst.idx.add.f32.msk $0xffff, v43  }
0x28a: {  	[tilespmem:v12+s18+$0x0] =	vst.idx.add.f32.msk $0xffff, v44  }
0x28b: {  	[tilespmem:v13+s18+$0x0] =	vst.idx.add.f32.msk $0xffff, v45  }
0x28c: {  	[tilespmem:v14+s18+$0x0] =	vst.idx.add.f32.msk $0xffff, v46  }
0x28d: {  	[tilespmem:v15+s18+$0x0] =	vst.idx.add.f32.msk $0xffff, v47  }
0x28e: {  	[tilespmem:v16+s18+$0x0] =	vst.idx.add.f32.msk $0xffff, v48  }
0x28f: {  	[tilespmem:v17+s18+$0x0] =	vst.idx.add.f32.msk $0xffff, v49  }
0x290: {  	[tilespmem:v18+s18+$0x0] =	vst.idx.add.f32.msk $0xffff, v50  }
0x291: {  	[tilespmem:v19+s18+$0x0] =	vst.idx.add.f32.msk $0xffff, v51  }
0x292: {  	[tilespmem:v20+s18+$0x0] =	vst.idx.add.f32.msk $0xffff, v52  }
0x293: {  	[tilespmem:v21+s18+$0x0] =	vst.idx.add.f32.msk $0xffff, v53  }
0x294: {  	[tilespmem:v22+s18+$0x0] =	vst.idx.add.f32.msk $0xffff, v54  }
0x295: {  	[tilespmem:v23+s18+$0x0] =	vst.idx.add.f32.msk $0xffff, v55  }
0x296: {  	[tilespmem:v24+s18+$0x0] =	vst.idx.add.f32.msk $0xffff, v56  }
0x297: {  	[tilespmem:v25+s18+$0x0] =	vst.idx.add.f32.msk $0xffff, v57  }
0x298: {  	[tilespmem:v26+s18+$0x0] =	vst.idx.add.f32.msk $0xffff, v58  }
0x299: {  	[tilespmem:v27+s18+$0x0] =	vst.idx.add.f32.msk $0xffff, v59  }
0x29a: {  	[tilespmem:v28+s18+$0x0] =	vst.idx.add.f32.msk $0xffff, v60  }
0x29b: {  	[tilespmem:v29+s18+$0x0] =	vst.idx.add.f32.msk $0xffff, v61  }
0x29c: {  	[tilespmem:v30+s18+$0x0] =	vst.idx.add.f32.msk $0xffff, v62  }
0x29d: {  	v32 =	vld [tilespmem:s31+$0xFFFFFC00]  }
0x29e: {  	v33 =	vld [tilespmem:s31+$0xFFFFFC10]  }
0x29f: {  	v34 =	vld [tilespmem:s31+$0xFFFFFC20]  }
0x2a0: {  	v35 =	vld [tilespmem:s31+$0xFFFFFC30]  }
0x2a1: {  	v36 =	vld [tilespmem:s31+$0xFFFFFC40]  }
0x2a2: {  	v37 =	vld [tilespmem:s31+$0xFFFFFC50]  }
0x2a3: {  	v38 =	vld [tilespmem:s31+$0xFFFFFC60]  }
0x2a4: {  	v39 =	vld [tilespmem:s31+$0xFFFFFC70]  }
0x2a5: {  	v40 =	vld [tilespmem:s31+$0xFFFFFE00]  }
0x2a6: {  	v41 =	vld [tilespmem:s31+$0xFFFFFE10]  }
0x2a7: {  	v42 =	vld [tilespmem:s31+$0xFFFFFE20]  }
0x2a8: {  	v43 =	vld [tilespmem:s31+$0xFFFFFE30]  }
0x2a9: {  	v44 =	vld [tilespmem:s31+$0xFFFFFE40]  }
0x2aa: {  	v45 =	vld [tilespmem:s31+$0xFFFFFE50]  }
0x2ab: {  	v46 =	vld [tilespmem:s31+$0xFFFFFE60]  }
0x2ac: {  	v47 =	vld [tilespmem:s31+$0xFFFFFE70]  }
0x2ad: {  	v48 =	vld [tilespmem:s31+$0x0]  }
0x2ae: {  	v49 =	vld [tilespmem:s31+$0x10]  }
0x2af: {  	v50 =	vld [tilespmem:s31+$0x20]  }
0x2b0: {  	v51 =	vld [tilespmem:s31+$0x30]  }
0x2b1: {  	v52 =	vld [tilespmem:s31+$0x40]  }
0x2b2: {  	v53 =	vld [tilespmem:s31+$0x50]  }
0x2b3: {  	v54 =	vld [tilespmem:s31+$0x60]  }
0x2b4: {  	v55 =	vld [tilespmem:s31+$0x70]  }
0x2b5: {  	v56 =	vld [tilespmem:s31+$0x200]  }
0x2b6: {  	v57 =	vld [tilespmem:s31+$0x210]  }
0x2b7: {  	v58 =	vld [tilespmem:s31+$0x220]  }
0x2b8: {  	v59 =	vld [tilespmem:s31+$0x230]  }
0x2b9: {  	v60 =	vld [tilespmem:s31+$0x240]  }
0x2ba: {  	v61 =	vld [tilespmem:s31+$0x250]  }
0x2bb: {  	v62 =	vld [tilespmem:s31+$0x260]  }
0x2bc: {  	[tilespmem:v31+s19+$0x0] =	vst.idx.add.f32.msk $0xffff, v32  }
0x2bd: {  	[tilespmem:v1+s19+$0x0] =	vst.idx.add.f32.msk $0xffff, v33  }
0x2be: {  	[tilespmem:v2+s19+$0x0] =	vst.idx.add.f32.msk $0xffff, v34  }
0x2bf: {  	[tilespmem:v3+s19+$0x0] =	vst.idx.add.f32.msk $0xffff, v35  }
0x2c0: {  	[tilespmem:v4+s19+$0x0] =	vst.idx.add.f32.msk $0xffff, v36  }
0x2c1: {  	[tilespmem:v5+s19+$0x0] =	vst.idx.add.f32.msk $0xffff, v37  }
0x2c2: {  	[tilespmem:v6+s19+$0x0] =	vst.idx.add.f32.msk $0xffff, v38  }
0x2c3: {  	[tilespmem:v7+s19+$0x0] =	vst.idx.add.f32.msk $0xffff, v39  }
0x2c4: {  	[tilespmem:v8+s19+$0x0] =	vst.idx.add.f32.msk $0xffff, v40  }
0x2c5: {  	[tilespmem:v9+s19+$0x0] =	vst.idx.add.f32.msk $0xffff, v41  }
0x2c6: {  	[tilespmem:v10+s19+$0x0] =	vst.idx.add.f32.msk $0xffff, v42  }
0x2c7: {  	[tilespmem:v11+s19+$0x0] =	vst.idx.add.f32.msk $0xffff, v43  }
0x2c8: {  	[tilespmem:v12+s19+$0x0] =	vst.idx.add.f32.msk $0xffff, v44  }
0x2c9: {  	[tilespmem:v13+s19+$0x0] =	vst.idx.add.f32.msk $0xffff, v45  }
0x2ca: {  	[tilespmem:v14+s19+$0x0] =	vst.idx.add.f32.msk $0xffff, v46  }
0x2cb: {  	[tilespmem:v15+s19+$0x0] =	vst.idx.add.f32.msk $0xffff, v47  }
0x2cc: {  	[tilespmem:v16+s19+$0x0] =	vst.idx.add.f32.msk $0xffff, v48  }
0x2cd: {  	[tilespmem:v17+s19+$0x0] =	vst.idx.add.f32.msk $0xffff, v49  }
0x2ce: {  	[tilespmem:v18+s19+$0x0] =	vst.idx.add.f32.msk $0xffff, v50  }
0x2cf: {  	[tilespmem:v19+s19+$0x0] =	vst.idx.add.f32.msk $0xffff, v51  }
0x2d0: {  	[tilespmem:v20+s19+$0x0] =	vst.idx.add.f32.msk $0xffff, v52  }
0x2d1: {  	[tilespmem:v21+s19+$0x0] =	vst.idx.add.f32.msk $0xffff, v53  }
0x2d2: {  	[tilespmem:v22+s19+$0x0] =	vst.idx.add.f32.msk $0xffff, v54  }
0x2d3: {  	[tilespmem:v23+s19+$0x0] =	vst.idx.add.f32.msk $0xffff, v55  }
0x2d4: {  	[tilespmem:v24+s19+$0x0] =	vst.idx.add.f32.msk $0xffff, v56  }
0x2d5: {  	[tilespmem:v25+s19+$0x0] =	vst.idx.add.f32.msk $0xffff, v57  }
.Ltmp4:
0x2d6: {  	[tilespmem:v26+s19+$0x0] =	vst.idx.add.f32.msk $0xffff, v58;
	(pc) =	sbr.rel @p1 .LBB2_6-.Ltmp4, $4  }
0x2d7: {  	[tilespmem:v27+s19+$0x0] =	vst.idx.add.f32.msk $0xffff, v59  }
0x2d8: {  	[tilespmem:v28+s19+$0x0] =	vst.idx.add.f32.msk $0xffff, v60  }
0x2d9: {  	[tilespmem:v29+s19+$0x0] =	vst.idx.add.f32.msk $0xffff, v61  }
0x2da: {  	s9 =	sadd.s32 $0x800, s9;
	[tilespmem:v30+s19+$0x0] =	vst.idx.add.f32.msk $0xffff, v62  }
0x2db: {  	v3 =	vld [tilespmem:s1+$0x270]  }
0x2dc: {  	v1 =	vld [tilespmem:s1+$0xFFFFFC10]  }
0x2dd: {  	v2 =	vld [tilespmem:s1+$0xFFFFFC20]  }
0x2de: {  	v4 =	vld [tilespmem:s29+$0x270]  }
0x2df: {  	v5 =	vld [tilespmem:s1+$0xFFFFFC30]  }
0x2e0: {  	v6 =	vld [tilespmem:s1+$0xFFFFFC40]  }
0x2e1: {  	v7 =	vld [tilespmem:s1+$0xFFFFFC50]  }
0x2e2: {  	v8 =	vld [tilespmem:s1+$0xFFFFFC60]  }
0x2e3: {  	v9 =	vld [tilespmem:s1+$0xFFFFFC70]  }
0x2e4: {  	v10 =	vld [tilespmem:s1+$0xFFFFFE00]  }
0x2e5: {  	v11 =	vld [tilespmem:s1+$0xFFFFFE10]  }
0x2e6: {  	v12 =	vld [tilespmem:s1+$0xFFFFFE20]  }
0x2e7: {  	v13 =	vld [tilespmem:s1+$0xFFFFFE40]  }
0x2e8: {  	v14 =	vld [tilespmem:s1+$0xFFFFFE50]  }
0x2e9: {  	v15 =	vld [tilespmem:s1+$0xFFFFFE60]  }
0x2ea: {  	v16 =	vld [tilespmem:s1+$0xFFFFFE70]  }
0x2eb: {  	v17 =	vld [tilespmem:s1+$0x0]  }
0x2ec: {  	v18 =	vld [tilespmem:s1+$0x10]  }
0x2ed: {  	v19 =	vld [tilespmem:s1+$0x20]  }
0x2ee: {  	v20 =	vld [tilespmem:s1+$0x30]  }
0x2ef: {  	v21 =	vld [tilespmem:s1+$0x40]  }
0x2f0: {  	v22 =	vld [tilespmem:s1+$0x50]  }
0x2f1: {  	v23 =	vld [tilespmem:s1+$0x60]  }
0x2f2: {  	v24 =	vld [tilespmem:s1+$0x70]  }
0x2f3: {  	v25 =	vld [tilespmem:s1+$0x200]  }
0x2f4: {  	v26 =	vld [tilespmem:s1+$0x210]  }
0x2f5: {  	v27 =	vld [tilespmem:s1+$0x220]  }
0x2f6: {  	v28 =	vld [tilespmem:s1+$0x230]  }
0x2f7: {  	v29 =	vld [tilespmem:s1+$0x240]  }
0x2f8: {  	v30 =	vld [tilespmem:s1+$0x250]  }
0x2f9: {  	v31 =	vld [tilespmem:s1+$0xFFFFFC00]  }
0x2fa: {  	v32 =	vld [tilespmem:s29+$0xFFFFFC00]  }
0x2fb: {  	v33 =	vld [tilespmem:s29+$0xFFFFFC10]  }
0x2fc: {  	v34 =	vld [tilespmem:s29+$0xFFFFFC20]  }
0x2fd: {  	v35 =	vld [tilespmem:s29+$0xFFFFFC30]  }
0x2fe: {  	v36 =	vld [tilespmem:s29+$0xFFFFFC40]  }
0x2ff: {  	v37 =	vld [tilespmem:s29+$0xFFFFFC50]  }
0x300: {  	v38 =	vld [tilespmem:s29+$0xFFFFFC60]  }
0x301: {  	v39 =	vld [tilespmem:s29+$0xFFFFFC70]  }
0x302: {  	v40 =	vld [tilespmem:s29+$0xFFFFFE00]  }
0x303: {  	v41 =	vld [tilespmem:s29+$0xFFFFFE10]  }
0x304: {  	v42 =	vld [tilespmem:s29+$0xFFFFFE20]  }
0x305: {  	v43 =	vld [tilespmem:s29+$0xFFFFFE30]  }
0x306: {  	v44 =	vld [tilespmem:s29+$0xFFFFFE40]  }
0x307: {  	v45 =	vld [tilespmem:s29+$0xFFFFFE50]  }
0x308: {  	v46 =	vld [tilespmem:s29+$0xFFFFFE60]  }
0x309: {  	v47 =	vld [tilespmem:s29+$0xFFFFFE70]  }
0x30a: {  	v48 =	vld [tilespmem:s29+$0x0]  }
0x30b: {  	v49 =	vld [tilespmem:s29+$0x10]  }
0x30c: {  	v50 =	vld [tilespmem:s29+$0x20]  }
0x30d: {  	v51 =	vld [tilespmem:s29+$0x30]  }
0x30e: {  	v52 =	vld [tilespmem:s29+$0x40]  }
0x30f: {  	v53 =	vld [tilespmem:s29+$0x50]  }
0x310: {  	v54 =	vld [tilespmem:s29+$0x60]  }
0x311: {  	v55 =	vld [tilespmem:s29+$0x70]  }
0x312: {  	v56 =	vld [tilespmem:s29+$0x200]  }
0x313: {  	v57 =	vld [tilespmem:s29+$0x210]  }
0x314: {  	v58 =	vld [tilespmem:s29+$0x220]  }
0x315: {  	v59 =	vld [tilespmem:s29+$0x230]  }
0x316: {  	v60 =	vld [tilespmem:s29+$0x240]  }
0x317: {  	v61 =	vld [tilespmem:s29+$0x250]  }
0x318: {  	v62 =	vld [tilespmem:s29+$0x260]  }
0x319: {  	[tilespmem:v3+s20+$0x0] =	vst.idx.add.f32.msk $0xffff, v4  }
0x31a: {  	[tilespmem:v31+s20+$0x0] =	vst.idx.add.f32.msk $0xffff, v32  }
0x31b: {  	[tilespmem:v1+s20+$0x0] =	vst.idx.add.f32.msk $0xffff, v33  }
0x31c: {  	[tilespmem:v2+s20+$0x0] =	vst.idx.add.f32.msk $0xffff, v34  }
0x31d: {  	[tilespmem:v5+s20+$0x0] =	vst.idx.add.f32.msk $0xffff, v35  }
0x31e: {  	[tilespmem:v6+s20+$0x0] =	vst.idx.add.f32.msk $0xffff, v36  }
0x31f: {  	[tilespmem:v7+s20+$0x0] =	vst.idx.add.f32.msk $0xffff, v37  }
0x320: {  	[tilespmem:v8+s20+$0x0] =	vst.idx.add.f32.msk $0xffff, v38  }
0x321: {  	[tilespmem:v9+s20+$0x0] =	vst.idx.add.f32.msk $0xffff, v39  }
0x322: {  	[tilespmem:v10+s20+$0x0] =	vst.idx.add.f32.msk $0xffff, v40  }
0x323: {  	[tilespmem:v11+s20+$0x0] =	vst.idx.add.f32.msk $0xffff, v41  }
0x324: {  	[tilespmem:v12+s20+$0x0] =	vst.idx.add.f32.msk $0xffff, v42  }
0x325: {  	[tilespmem:v13+s20+$0x0] =	vst.idx.add.f32.msk $0xffff, v44  }
0x326: {  	[tilespmem:v14+s20+$0x0] =	vst.idx.add.f32.msk $0xffff, v45  }
0x327: {  	[tilespmem:v15+s20+$0x0] =	vst.idx.add.f32.msk $0xffff, v46  }
0x328: {  	[tilespmem:v16+s20+$0x0] =	vst.idx.add.f32.msk $0xffff, v47  }
0x329: {  	[tilespmem:v17+s20+$0x0] =	vst.idx.add.f32.msk $0xffff, v48  }
0x32a: {  	[tilespmem:v18+s20+$0x0] =	vst.idx.add.f32.msk $0xffff, v49  }
0x32b: {  	[tilespmem:v19+s20+$0x0] =	vst.idx.add.f32.msk $0xffff, v50  }
0x32c: {  	[tilespmem:v20+s20+$0x0] =	vst.idx.add.f32.msk $0xffff, v51  }
0x32d: {  	[tilespmem:v21+s20+$0x0] =	vst.idx.add.f32.msk $0xffff, v52  }
0x32e: {  	[tilespmem:v22+s20+$0x0] =	vst.idx.add.f32.msk $0xffff, v53  }
0x32f: {  	[tilespmem:v23+s20+$0x0] =	vst.idx.add.f32.msk $0xffff, v54  }
0x330: {  	[tilespmem:v24+s20+$0x0] =	vst.idx.add.f32.msk $0xffff, v55  }
0x331: {  	[tilespmem:v25+s20+$0x0] =	vst.idx.add.f32.msk $0xffff, v56  }
0x332: {  	[tilespmem:v26+s20+$0x0] =	vst.idx.add.f32.msk $0xffff, v57  }
0x333: {  	[tilespmem:v27+s20+$0x0] =	vst.idx.add.f32.msk $0xffff, v58  }
0x334: {  	[tilespmem:v28+s20+$0x0] =	vst.idx.add.f32.msk $0xffff, v59  }
0x335: {  	[tilespmem:v29+s20+$0x0] =	vst.idx.add.f32.msk $0xffff, v60  }
0x336: {  	[tilespmem:v30+s20+$0x0] =	vst.idx.add.f32.msk $0xffff, v61  }
0x337: {  	v4 =	vld [tilespmem:s28+$0x270]  }
0x338: {  	v32 =	vld [tilespmem:s28+$0xFFFFFC00]  }
0x339: {  	v33 =	vld [tilespmem:s28+$0xFFFFFC10]  }
0x33a: {  	v34 =	vld [tilespmem:s28+$0xFFFFFC20]  }
0x33b: {  	v35 =	vld [tilespmem:s28+$0xFFFFFC30]  }
0x33c: {  	v36 =	vld [tilespmem:s28+$0xFFFFFC40]  }
0x33d: {  	v37 =	vld [tilespmem:s28+$0xFFFFFC50]  }
0x33e: {  	v38 =	vld [tilespmem:s28+$0xFFFFFC60]  }
0x33f: {  	v39 =	vld [tilespmem:s28+$0xFFFFFC70]  }
0x340: {  	v40 =	vld [tilespmem:s28+$0xFFFFFE00]  }
0x341: {  	v41 =	vld [tilespmem:s28+$0xFFFFFE10]  }
0x342: {  	v42 =	vld [tilespmem:s28+$0xFFFFFE20]  }
0x343: {  	v44 =	vld [tilespmem:s28+$0xFFFFFE40]  }
0x344: {  	v45 =	vld [tilespmem:s28+$0xFFFFFE50]  }
0x345: {  	v46 =	vld [tilespmem:s28+$0xFFFFFE60]  }
0x346: {  	v47 =	vld [tilespmem:s28+$0xFFFFFE70]  }
0x347: {  	v48 =	vld [tilespmem:s28+$0x0]  }
0x348: {  	v49 =	vld [tilespmem:s28+$0x10]  }
0x349: {  	v50 =	vld [tilespmem:s28+$0x20]  }
0x34a: {  	v51 =	vld [tilespmem:s28+$0x30]  }
0x34b: {  	v52 =	vld [tilespmem:s28+$0x40]  }
0x34c: {  	v53 =	vld [tilespmem:s28+$0x50]  }
0x34d: {  	v54 =	vld [tilespmem:s28+$0x60]  }
0x34e: {  	v55 =	vld [tilespmem:s28+$0x70]  }
0x34f: {  	v56 =	vld [tilespmem:s28+$0x200]  }
0x350: {  	v57 =	vld [tilespmem:s28+$0x210]  }
0x351: {  	v58 =	vld [tilespmem:s28+$0x220]  }
0x352: {  	v59 =	vld [tilespmem:s28+$0x230]  }
0x353: {  	v60 =	vld [tilespmem:s28+$0x240]  }
0x354: {  	v61 =	vld [tilespmem:s28+$0x250]  }
0x355: {  	[tilespmem:v3+s21+$0x0] =	vst.idx.add.f32.msk $0xffff, v4  }
0x356: {  	v4 =	vld [tilespmem:s1+$0xFFFFFE30]  }
0x357: {  	v3 =	vld [tilespmem:s1+$0x260]  }
0x358: {  	[tilespmem:v31+s21+$0x0] =	vst.idx.add.f32.msk $0xffff, v32  }
0x359: {  	[tilespmem:v1+s21+$0x0] =	vst.idx.add.f32.msk $0xffff, v33  }
0x35a: {  	[tilespmem:v2+s21+$0x0] =	vst.idx.add.f32.msk $0xffff, v34  }
0x35b: {  	[tilespmem:v5+s21+$0x0] =	vst.idx.add.f32.msk $0xffff, v35  }
0x35c: {  	[tilespmem:v6+s21+$0x0] =	vst.idx.add.f32.msk $0xffff, v36  }
0x35d: {  	[tilespmem:v7+s21+$0x0] =	vst.idx.add.f32.msk $0xffff, v37  }
0x35e: {  	[tilespmem:v8+s21+$0x0] =	vst.idx.add.f32.msk $0xffff, v38  }
0x35f: {  	[tilespmem:v9+s21+$0x0] =	vst.idx.add.f32.msk $0xffff, v39  }
0x360: {  	[tilespmem:v10+s21+$0x0] =	vst.idx.add.f32.msk $0xffff, v40  }
0x361: {  	[tilespmem:v11+s21+$0x0] =	vst.idx.add.f32.msk $0xffff, v41  }
0x362: {  	[tilespmem:v12+s21+$0x0] =	vst.idx.add.f32.msk $0xffff, v42  }
0x363: {  	[tilespmem:v13+s21+$0x0] =	vst.idx.add.f32.msk $0xffff, v44  }
0x364: {  	[tilespmem:v14+s21+$0x0] =	vst.idx.add.f32.msk $0xffff, v45  }
0x365: {  	[tilespmem:v15+s21+$0x0] =	vst.idx.add.f32.msk $0xffff, v46  }
0x366: {  	[tilespmem:v16+s21+$0x0] =	vst.idx.add.f32.msk $0xffff, v47  }
0x367: {  	[tilespmem:v17+s21+$0x0] =	vst.idx.add.f32.msk $0xffff, v48  }
0x368: {  	[tilespmem:v18+s21+$0x0] =	vst.idx.add.f32.msk $0xffff, v49  }
0x369: {  	[tilespmem:v19+s21+$0x0] =	vst.idx.add.f32.msk $0xffff, v50  }
0x36a: {  	[tilespmem:v20+s21+$0x0] =	vst.idx.add.f32.msk $0xffff, v51  }
0x36b: {  	[tilespmem:v21+s21+$0x0] =	vst.idx.add.f32.msk $0xffff, v52  }
0x36c: {  	[tilespmem:v22+s21+$0x0] =	vst.idx.add.f32.msk $0xffff, v53  }
0x36d: {  	[tilespmem:v23+s21+$0x0] =	vst.idx.add.f32.msk $0xffff, v54  }
0x36e: {  	[tilespmem:v24+s21+$0x0] =	vst.idx.add.f32.msk $0xffff, v55  }
0x36f: {  	[tilespmem:v25+s21+$0x0] =	vst.idx.add.f32.msk $0xffff, v56  }
0x370: {  	[tilespmem:v26+s21+$0x0] =	vst.idx.add.f32.msk $0xffff, v57  }
0x371: {  	[tilespmem:v27+s21+$0x0] =	vst.idx.add.f32.msk $0xffff, v58  }
0x372: {  	[tilespmem:v4+s20+$0x0] =	vst.idx.add.f32.msk $0xffff, v43  }
0x373: {  	[tilespmem:v3+s20+$0x0] =	vst.idx.add.f32.msk $0xffff, v62  }
0x374: {  	v43 =	vld [tilespmem:s28+$0xFFFFFE30]  }
0x375: {  	v62 =	vld [tilespmem:s28+$0x260]  }
0x376: {  	[tilespmem:v28+s21+$0x0] =	vst.idx.add.f32.msk $0xffff, v59  }
0x377: {  	[tilespmem:v29+s21+$0x0] =	vst.idx.add.f32.msk $0xffff, v60  }
0x378: {  	[tilespmem:v30+s21+$0x0] =	vst.idx.add.f32.msk $0xffff, v61  }
0x379: {  	s2 =	simm.s32 $0x0;
	s31 =	simm.s32 $0x4580;
	[tilespmem:v4+s21+$0x0] =	vst.idx.add.f32.msk $0xffff, v43  }
0x37a: {  	s0 =	simm.s32 $0x580;
	s9 =	simm.s32 $0x8D00;
	s1 =	simm.s32 $0x8580;
	[tilespmem:v3+s21+$0x0] =	vst.idx.add.f32.msk $0xffff, v62  }
.LBB2_8:
0x37b: {  	v11 =	vld [tilespmem:s9+$0x270];
	s2 =	sadd.s32 $0x20, s2  }
0x37c: {  	v1 =	vld [tilespmem:s9+$0xFFFFFC10];
	p1 =	slt.u32 s2, $0xE0  }
0x37d: {  	s29 =	sadd.s32 $0x800, s29;
	v2 =	vld [tilespmem:s9+$0xFFFFFC20]  }
0x37e: {  	v7 =	vld [tilespmem:s29+$0x270]  }
0x37f: {  	v3 =	vld [tilespmem:s9+$0xFFFFFC30]  }
0x380: {  	v4 =	vld [tilespmem:s9+$0xFFFFFC40]  }
0x381: {  	v5 =	vld [tilespmem:s9+$0xFFFFFC50]  }
0x382: {  	v6 =	vld [tilespmem:s9+$0xFFFFFC60]  }
0x383: {  	s28 =	sadd.s32 $0x800, s28;
	[tilespmem:v11+s20+$0x0] =	vst.idx.add.f32.msk $0xffff, v7  }
0x384: {  	v12 =	vld [tilespmem:s28+$0x270]  }
0x385: {  	v7 =	vld [tilespmem:s9+$0xFFFFFC70]  }
0x386: {  	v8 =	vld [tilespmem:s9+$0xFFFFFE00]  }
0x387: {  	v9 =	vld [tilespmem:s9+$0xFFFFFE10]  }
0x388: {  	v10 =	vld [tilespmem:s9+$0xFFFFFE20]  }
0x389: {  	[tilespmem:v11+s21+$0x0] =	vst.idx.add.f32.msk $0xffff, v12  }
0x38a: {  	v11 =	vld [tilespmem:s9+$0xFFFFFE30]  }
0x38b: {  	v12 =	vld [tilespmem:s9+$0xFFFFFE40]  }
0x38c: {  	v13 =	vld [tilespmem:s9+$0xFFFFFE50]  }
0x38d: {  	v14 =	vld [tilespmem:s9+$0xFFFFFE60]  }
0x38e: {  	v15 =	vld [tilespmem:s9+$0xFFFFFE70]  }
0x38f: {  	v16 =	vld [tilespmem:s9+$0x0]  }
0x390: {  	v17 =	vld [tilespmem:s9+$0x10]  }
0x391: {  	v18 =	vld [tilespmem:s9+$0x20]  }
0x392: {  	v19 =	vld [tilespmem:s9+$0x30]  }
0x393: {  	v20 =	vld [tilespmem:s9+$0x40]  }
0x394: {  	v21 =	vld [tilespmem:s9+$0x50]  }
0x395: {  	v22 =	vld [tilespmem:s9+$0x60]  }
0x396: {  	v23 =	vld [tilespmem:s9+$0x70]  }
0x397: {  	v24 =	vld [tilespmem:s9+$0x200]  }
0x398: {  	v25 =	vld [tilespmem:s9+$0x210]  }
0x399: {  	v26 =	vld [tilespmem:s9+$0x220]  }
0x39a: {  	v27 =	vld [tilespmem:s9+$0x230]  }
0x39b: {  	v28 =	vld [tilespmem:s9+$0x240]  }
0x39c: {  	v29 =	vld [tilespmem:s9+$0x250]  }
0x39d: {  	v30 =	vld [tilespmem:s9+$0x260]  }
0x39e: {  	v31 =	vld [tilespmem:s9+$0xFFFFFC00]  }
0x39f: {  	v32 =	vld [tilespmem:s29+$0xFFFFFC00]  }
0x3a0: {  	v33 =	vld [tilespmem:s29+$0xFFFFFC10]  }
0x3a1: {  	v34 =	vld [tilespmem:s29+$0xFFFFFC20]  }
0x3a2: {  	v35 =	vld [tilespmem:s29+$0xFFFFFC30]  }
0x3a3: {  	v36 =	vld [tilespmem:s29+$0xFFFFFC40]  }
0x3a4: {  	v37 =	vld [tilespmem:s29+$0xFFFFFC50]  }
0x3a5: {  	v38 =	vld [tilespmem:s29+$0xFFFFFC60]  }
0x3a6: {  	v39 =	vld [tilespmem:s29+$0xFFFFFC70]  }
0x3a7: {  	v40 =	vld [tilespmem:s29+$0xFFFFFE00]  }
0x3a8: {  	v41 =	vld [tilespmem:s29+$0xFFFFFE10]  }
0x3a9: {  	v42 =	vld [tilespmem:s29+$0xFFFFFE20]  }
0x3aa: {  	v43 =	vld [tilespmem:s29+$0xFFFFFE30]  }
0x3ab: {  	v44 =	vld [tilespmem:s29+$0xFFFFFE40]  }
0x3ac: {  	v45 =	vld [tilespmem:s29+$0xFFFFFE50]  }
0x3ad: {  	v46 =	vld [tilespmem:s29+$0xFFFFFE60]  }
0x3ae: {  	v47 =	vld [tilespmem:s29+$0xFFFFFE70]  }
0x3af: {  	v48 =	vld [tilespmem:s29+$0x0]  }
0x3b0: {  	v49 =	vld [tilespmem:s29+$0x10]  }
0x3b1: {  	v50 =	vld [tilespmem:s29+$0x20]  }
0x3b2: {  	v51 =	vld [tilespmem:s29+$0x30]  }
0x3b3: {  	v52 =	vld [tilespmem:s29+$0x40]  }
0x3b4: {  	v53 =	vld [tilespmem:s29+$0x50]  }
0x3b5: {  	v54 =	vld [tilespmem:s29+$0x60]  }
0x3b6: {  	v55 =	vld [tilespmem:s29+$0x70]  }
0x3b7: {  	v56 =	vld [tilespmem:s29+$0x200]  }
0x3b8: {  	v57 =	vld [tilespmem:s29+$0x210]  }
0x3b9: {  	v58 =	vld [tilespmem:s29+$0x220]  }
0x3ba: {  	v59 =	vld [tilespmem:s29+$0x230]  }
0x3bb: {  	v60 =	vld [tilespmem:s29+$0x240]  }
0x3bc: {  	v61 =	vld [tilespmem:s29+$0x250]  }
0x3bd: {  	v62 =	vld [tilespmem:s29+$0x260]  }
0x3be: {  	[tilespmem:v31+s20+$0x0] =	vst.idx.add.f32.msk $0xffff, v32  }
0x3bf: {  	[tilespmem:v1+s20+$0x0] =	vst.idx.add.f32.msk $0xffff, v33  }
0x3c0: {  	[tilespmem:v2+s20+$0x0] =	vst.idx.add.f32.msk $0xffff, v34  }
0x3c1: {  	[tilespmem:v3+s20+$0x0] =	vst.idx.add.f32.msk $0xffff, v35  }
0x3c2: {  	[tilespmem:v4+s20+$0x0] =	vst.idx.add.f32.msk $0xffff, v36  }
0x3c3: {  	[tilespmem:v5+s20+$0x0] =	vst.idx.add.f32.msk $0xffff, v37  }
0x3c4: {  	[tilespmem:v6+s20+$0x0] =	vst.idx.add.f32.msk $0xffff, v38  }
0x3c5: {  	[tilespmem:v7+s20+$0x0] =	vst.idx.add.f32.msk $0xffff, v39  }
0x3c6: {  	[tilespmem:v8+s20+$0x0] =	vst.idx.add.f32.msk $0xffff, v40  }
0x3c7: {  	[tilespmem:v9+s20+$0x0] =	vst.idx.add.f32.msk $0xffff, v41  }
0x3c8: {  	[tilespmem:v10+s20+$0x0] =	vst.idx.add.f32.msk $0xffff, v42  }
0x3c9: {  	[tilespmem:v11+s20+$0x0] =	vst.idx.add.f32.msk $0xffff, v43  }
0x3ca: {  	[tilespmem:v12+s20+$0x0] =	vst.idx.add.f32.msk $0xffff, v44  }
0x3cb: {  	[tilespmem:v13+s20+$0x0] =	vst.idx.add.f32.msk $0xffff, v45  }
0x3cc: {  	[tilespmem:v14+s20+$0x0] =	vst.idx.add.f32.msk $0xffff, v46  }
0x3cd: {  	[tilespmem:v15+s20+$0x0] =	vst.idx.add.f32.msk $0xffff, v47  }
0x3ce: {  	[tilespmem:v16+s20+$0x0] =	vst.idx.add.f32.msk $0xffff, v48  }
0x3cf: {  	[tilespmem:v17+s20+$0x0] =	vst.idx.add.f32.msk $0xffff, v49  }
0x3d0: {  	[tilespmem:v18+s20+$0x0] =	vst.idx.add.f32.msk $0xffff, v50  }
0x3d1: {  	[tilespmem:v19+s20+$0x0] =	vst.idx.add.f32.msk $0xffff, v51  }
0x3d2: {  	[tilespmem:v20+s20+$0x0] =	vst.idx.add.f32.msk $0xffff, v52  }
0x3d3: {  	[tilespmem:v21+s20+$0x0] =	vst.idx.add.f32.msk $0xffff, v53  }
0x3d4: {  	[tilespmem:v22+s20+$0x0] =	vst.idx.add.f32.msk $0xffff, v54  }
0x3d5: {  	[tilespmem:v23+s20+$0x0] =	vst.idx.add.f32.msk $0xffff, v55  }
0x3d6: {  	[tilespmem:v24+s20+$0x0] =	vst.idx.add.f32.msk $0xffff, v56  }
0x3d7: {  	[tilespmem:v25+s20+$0x0] =	vst.idx.add.f32.msk $0xffff, v57  }
0x3d8: {  	[tilespmem:v26+s20+$0x0] =	vst.idx.add.f32.msk $0xffff, v58  }
0x3d9: {  	[tilespmem:v27+s20+$0x0] =	vst.idx.add.f32.msk $0xffff, v59  }
0x3da: {  	[tilespmem:v28+s20+$0x0] =	vst.idx.add.f32.msk $0xffff, v60  }
0x3db: {  	[tilespmem:v29+s20+$0x0] =	vst.idx.add.f32.msk $0xffff, v61  }
0x3dc: {  	[tilespmem:v30+s20+$0x0] =	vst.idx.add.f32.msk $0xffff, v62  }
0x3dd: {  	v32 =	vld [tilespmem:s28+$0xFFFFFC00]  }
0x3de: {  	v33 =	vld [tilespmem:s28+$0xFFFFFC10]  }
0x3df: {  	v34 =	vld [tilespmem:s28+$0xFFFFFC20]  }
0x3e0: {  	v35 =	vld [tilespmem:s28+$0xFFFFFC30]  }
0x3e1: {  	v36 =	vld [tilespmem:s28+$0xFFFFFC40]  }
0x3e2: {  	v37 =	vld [tilespmem:s28+$0xFFFFFC50]  }
0x3e3: {  	v38 =	vld [tilespmem:s28+$0xFFFFFC60]  }
0x3e4: {  	v39 =	vld [tilespmem:s28+$0xFFFFFC70]  }
0x3e5: {  	v40 =	vld [tilespmem:s28+$0xFFFFFE00]  }
0x3e6: {  	v41 =	vld [tilespmem:s28+$0xFFFFFE10]  }
0x3e7: {  	v42 =	vld [tilespmem:s28+$0xFFFFFE20]  }
0x3e8: {  	v43 =	vld [tilespmem:s28+$0xFFFFFE30]  }
0x3e9: {  	v44 =	vld [tilespmem:s28+$0xFFFFFE40]  }
0x3ea: {  	v45 =	vld [tilespmem:s28+$0xFFFFFE50]  }
0x3eb: {  	v46 =	vld [tilespmem:s28+$0xFFFFFE60]  }
0x3ec: {  	v47 =	vld [tilespmem:s28+$0xFFFFFE70]  }
0x3ed: {  	v48 =	vld [tilespmem:s28+$0x0]  }
0x3ee: {  	v49 =	vld [tilespmem:s28+$0x10]  }
0x3ef: {  	v50 =	vld [tilespmem:s28+$0x20]  }
0x3f0: {  	v51 =	vld [tilespmem:s28+$0x30]  }
0x3f1: {  	v52 =	vld [tilespmem:s28+$0x40]  }
0x3f2: {  	v53 =	vld [tilespmem:s28+$0x50]  }
0x3f3: {  	v54 =	vld [tilespmem:s28+$0x60]  }
0x3f4: {  	v55 =	vld [tilespmem:s28+$0x70]  }
0x3f5: {  	v56 =	vld [tilespmem:s28+$0x200]  }
0x3f6: {  	v57 =	vld [tilespmem:s28+$0x210]  }
0x3f7: {  	v58 =	vld [tilespmem:s28+$0x220]  }
0x3f8: {  	v59 =	vld [tilespmem:s28+$0x230]  }
0x3f9: {  	v60 =	vld [tilespmem:s28+$0x240]  }
0x3fa: {  	v61 =	vld [tilespmem:s28+$0x250]  }
0x3fb: {  	v62 =	vld [tilespmem:s28+$0x260]  }
0x3fc: {  	[tilespmem:v31+s21+$0x0] =	vst.idx.add.f32.msk $0xffff, v32  }
0x3fd: {  	[tilespmem:v1+s21+$0x0] =	vst.idx.add.f32.msk $0xffff, v33  }
0x3fe: {  	[tilespmem:v2+s21+$0x0] =	vst.idx.add.f32.msk $0xffff, v34  }
0x3ff: {  	[tilespmem:v3+s21+$0x0] =	vst.idx.add.f32.msk $0xffff, v35  }
0x400: {  	[tilespmem:v4+s21+$0x0] =	vst.idx.add.f32.msk $0xffff, v36  }
0x401: {  	[tilespmem:v5+s21+$0x0] =	vst.idx.add.f32.msk $0xffff, v37  }
0x402: {  	[tilespmem:v6+s21+$0x0] =	vst.idx.add.f32.msk $0xffff, v38  }
0x403: {  	[tilespmem:v7+s21+$0x0] =	vst.idx.add.f32.msk $0xffff, v39  }
0x404: {  	[tilespmem:v8+s21+$0x0] =	vst.idx.add.f32.msk $0xffff, v40  }
0x405: {  	[tilespmem:v9+s21+$0x0] =	vst.idx.add.f32.msk $0xffff, v41  }
0x406: {  	[tilespmem:v10+s21+$0x0] =	vst.idx.add.f32.msk $0xffff, v42  }
0x407: {  	[tilespmem:v11+s21+$0x0] =	vst.idx.add.f32.msk $0xffff, v43  }
0x408: {  	[tilespmem:v12+s21+$0x0] =	vst.idx.add.f32.msk $0xffff, v44  }
0x409: {  	[tilespmem:v13+s21+$0x0] =	vst.idx.add.f32.msk $0xffff, v45  }
0x40a: {  	[tilespmem:v14+s21+$0x0] =	vst.idx.add.f32.msk $0xffff, v46  }
0x40b: {  	[tilespmem:v15+s21+$0x0] =	vst.idx.add.f32.msk $0xffff, v47  }
0x40c: {  	[tilespmem:v16+s21+$0x0] =	vst.idx.add.f32.msk $0xffff, v48  }
0x40d: {  	[tilespmem:v17+s21+$0x0] =	vst.idx.add.f32.msk $0xffff, v49  }
0x40e: {  	[tilespmem:v18+s21+$0x0] =	vst.idx.add.f32.msk $0xffff, v50  }
0x40f: {  	[tilespmem:v19+s21+$0x0] =	vst.idx.add.f32.msk $0xffff, v51  }
0x410: {  	[tilespmem:v20+s21+$0x0] =	vst.idx.add.f32.msk $0xffff, v52  }
0x411: {  	[tilespmem:v21+s21+$0x0] =	vst.idx.add.f32.msk $0xffff, v53  }
0x412: {  	[tilespmem:v22+s21+$0x0] =	vst.idx.add.f32.msk $0xffff, v54  }
0x413: {  	[tilespmem:v23+s21+$0x0] =	vst.idx.add.f32.msk $0xffff, v55  }
0x414: {  	[tilespmem:v24+s21+$0x0] =	vst.idx.add.f32.msk $0xffff, v56  }
0x415: {  	[tilespmem:v25+s21+$0x0] =	vst.idx.add.f32.msk $0xffff, v57  }
.Ltmp5:
0x416: {  	[tilespmem:v26+s21+$0x0] =	vst.idx.add.f32.msk $0xffff, v58;
	(pc) =	sbr.rel @p1 .LBB2_8-.Ltmp5, $4  }
0x417: {  	[tilespmem:v27+s21+$0x0] =	vst.idx.add.f32.msk $0xffff, v59  }
0x418: {  	[tilespmem:v28+s21+$0x0] =	vst.idx.add.f32.msk $0xffff, v60  }
0x419: {  	[tilespmem:v29+s21+$0x0] =	vst.idx.add.f32.msk $0xffff, v61  }
0x41a: {  	s9 =	sadd.s32 $0x800, s9;
	[tilespmem:v30+s21+$0x0] =	vst.idx.add.f32.msk $0xffff, v62  }
0x41b: {  	v3 =	vld [tilespmem:s1+$0x270]  }
0x41c: {  	v1 =	vld [tilespmem:s1+$0xFFFFFC10]  }
0x41d: {  	v2 =	vld [tilespmem:s1+$0xFFFFFC20]  }
0x41e: {  	v4 =	vld [tilespmem:s0+$0x270]  }
0x41f: {  	v5 =	vld [tilespmem:s1+$0xFFFFFC30]  }
0x420: {  	v6 =	vld [tilespmem:s1+$0xFFFFFC40]  }
0x421: {  	v7 =	vld [tilespmem:s1+$0xFFFFFC50]  }
0x422: {  	v8 =	vld [tilespmem:s1+$0xFFFFFC60]  }
0x423: {  	v9 =	vld [tilespmem:s1+$0xFFFFFC70]  }
0x424: {  	v10 =	vld [tilespmem:s1+$0xFFFFFE00]  }
0x425: {  	v11 =	vld [tilespmem:s1+$0xFFFFFE10]  }
0x426: {  	v12 =	vld [tilespmem:s1+$0xFFFFFE20]  }
0x427: {  	v13 =	vld [tilespmem:s1+$0xFFFFFE50]  }
0x428: {  	v14 =	vld [tilespmem:s1+$0xFFFFFE60]  }
0x429: {  	v15 =	vld [tilespmem:s1+$0xFFFFFE70]  }
0x42a: {  	v16 =	vld [tilespmem:s1+$0x0]  }
0x42b: {  	v17 =	vld [tilespmem:s1+$0x10]  }
0x42c: {  	v18 =	vld [tilespmem:s1+$0x20]  }
0x42d: {  	v19 =	vld [tilespmem:s1+$0x30]  }
0x42e: {  	v20 =	vld [tilespmem:s1+$0x40]  }
0x42f: {  	v21 =	vld [tilespmem:s1+$0x50]  }
0x430: {  	v22 =	vld [tilespmem:s1+$0x60]  }
0x431: {  	v23 =	vld [tilespmem:s1+$0x70]  }
0x432: {  	v24 =	vld [tilespmem:s1+$0x200]  }
0x433: {  	v25 =	vld [tilespmem:s1+$0x210]  }
0x434: {  	v26 =	vld [tilespmem:s1+$0x220]  }
0x435: {  	v27 =	vld [tilespmem:s1+$0x230]  }
0x436: {  	v28 =	vld [tilespmem:s1+$0x240]  }
0x437: {  	v29 =	vld [tilespmem:s1+$0x250]  }
0x438: {  	v30 =	vld [tilespmem:s1+$0x260]  }
0x439: {  	v31 =	vld [tilespmem:s1+$0xFFFFFC00]  }
0x43a: {  	v32 =	vld [tilespmem:s0+$0xFFFFFC00]  }
0x43b: {  	v33 =	vld [tilespmem:s0+$0xFFFFFC10]  }
0x43c: {  	v34 =	vld [tilespmem:s0+$0xFFFFFC20]  }
0x43d: {  	v35 =	vld [tilespmem:s0+$0xFFFFFC30]  }
0x43e: {  	v36 =	vld [tilespmem:s0+$0xFFFFFC40]  }
0x43f: {  	v37 =	vld [tilespmem:s0+$0xFFFFFC50]  }
0x440: {  	v38 =	vld [tilespmem:s0+$0xFFFFFC60]  }
0x441: {  	v39 =	vld [tilespmem:s0+$0xFFFFFC70]  }
0x442: {  	v40 =	vld [tilespmem:s0+$0xFFFFFE00]  }
0x443: {  	v41 =	vld [tilespmem:s0+$0xFFFFFE10]  }
0x444: {  	v42 =	vld [tilespmem:s0+$0xFFFFFE20]  }
0x445: {  	v43 =	vld [tilespmem:s0+$0xFFFFFE30]  }
0x446: {  	v44 =	vld [tilespmem:s0+$0xFFFFFE40]  }
0x447: {  	v45 =	vld [tilespmem:s0+$0xFFFFFE50]  }
0x448: {  	v46 =	vld [tilespmem:s0+$0xFFFFFE60]  }
0x449: {  	v47 =	vld [tilespmem:s0+$0xFFFFFE70]  }
0x44a: {  	v48 =	vld [tilespmem:s0+$0x0]  }
0x44b: {  	v49 =	vld [tilespmem:s0+$0x10]  }
0x44c: {  	v50 =	vld [tilespmem:s0+$0x20]  }
0x44d: {  	v51 =	vld [tilespmem:s0+$0x30]  }
0x44e: {  	v52 =	vld [tilespmem:s0+$0x40]  }
0x44f: {  	v53 =	vld [tilespmem:s0+$0x50]  }
0x450: {  	v54 =	vld [tilespmem:s0+$0x60]  }
0x451: {  	v55 =	vld [tilespmem:s0+$0x70]  }
0x452: {  	v56 =	vld [tilespmem:s0+$0x200]  }
0x453: {  	v57 =	vld [tilespmem:s0+$0x210]  }
0x454: {  	v58 =	vld [tilespmem:s0+$0x220]  }
0x455: {  	v59 =	vld [tilespmem:s0+$0x230]  }
0x456: {  	v60 =	vld [tilespmem:s0+$0x240]  }
0x457: {  	v61 =	vld [tilespmem:s0+$0x250]  }
0x458: {  	v62 =	vld [tilespmem:s0+$0x260]  }
0x459: {  	[tilespmem:v3+s22+$0x0] =	vst.idx.add.f32.msk $0xffff, v4  }
0x45a: {  	[tilespmem:v31+s22+$0x0] =	vst.idx.add.f32.msk $0xffff, v32  }
0x45b: {  	[tilespmem:v1+s22+$0x0] =	vst.idx.add.f32.msk $0xffff, v33  }
0x45c: {  	[tilespmem:v2+s22+$0x0] =	vst.idx.add.f32.msk $0xffff, v34  }
0x45d: {  	[tilespmem:v5+s22+$0x0] =	vst.idx.add.f32.msk $0xffff, v35  }
0x45e: {  	[tilespmem:v6+s22+$0x0] =	vst.idx.add.f32.msk $0xffff, v36  }
0x45f: {  	[tilespmem:v7+s22+$0x0] =	vst.idx.add.f32.msk $0xffff, v37  }
0x460: {  	[tilespmem:v8+s22+$0x0] =	vst.idx.add.f32.msk $0xffff, v38  }
0x461: {  	[tilespmem:v9+s22+$0x0] =	vst.idx.add.f32.msk $0xffff, v39  }
0x462: {  	[tilespmem:v10+s22+$0x0] =	vst.idx.add.f32.msk $0xffff, v40  }
0x463: {  	[tilespmem:v11+s22+$0x0] =	vst.idx.add.f32.msk $0xffff, v41  }
0x464: {  	[tilespmem:v12+s22+$0x0] =	vst.idx.add.f32.msk $0xffff, v42  }
0x465: {  	[tilespmem:v13+s22+$0x0] =	vst.idx.add.f32.msk $0xffff, v45  }
0x466: {  	[tilespmem:v14+s22+$0x0] =	vst.idx.add.f32.msk $0xffff, v46  }
0x467: {  	[tilespmem:v15+s22+$0x0] =	vst.idx.add.f32.msk $0xffff, v47  }
0x468: {  	[tilespmem:v16+s22+$0x0] =	vst.idx.add.f32.msk $0xffff, v48  }
0x469: {  	[tilespmem:v17+s22+$0x0] =	vst.idx.add.f32.msk $0xffff, v49  }
0x46a: {  	[tilespmem:v18+s22+$0x0] =	vst.idx.add.f32.msk $0xffff, v50  }
0x46b: {  	[tilespmem:v19+s22+$0x0] =	vst.idx.add.f32.msk $0xffff, v51  }
0x46c: {  	[tilespmem:v20+s22+$0x0] =	vst.idx.add.f32.msk $0xffff, v52  }
0x46d: {  	[tilespmem:v21+s22+$0x0] =	vst.idx.add.f32.msk $0xffff, v53  }
0x46e: {  	[tilespmem:v22+s22+$0x0] =	vst.idx.add.f32.msk $0xffff, v54  }
0x46f: {  	[tilespmem:v23+s22+$0x0] =	vst.idx.add.f32.msk $0xffff, v55  }
0x470: {  	[tilespmem:v24+s22+$0x0] =	vst.idx.add.f32.msk $0xffff, v56  }
0x471: {  	[tilespmem:v25+s22+$0x0] =	vst.idx.add.f32.msk $0xffff, v57  }
0x472: {  	[tilespmem:v26+s22+$0x0] =	vst.idx.add.f32.msk $0xffff, v58  }
0x473: {  	[tilespmem:v27+s22+$0x0] =	vst.idx.add.f32.msk $0xffff, v59  }
0x474: {  	[tilespmem:v28+s22+$0x0] =	vst.idx.add.f32.msk $0xffff, v60  }
0x475: {  	[tilespmem:v29+s22+$0x0] =	vst.idx.add.f32.msk $0xffff, v61  }
0x476: {  	[tilespmem:v30+s22+$0x0] =	vst.idx.add.f32.msk $0xffff, v62  }
0x477: {  	v4 =	vld [tilespmem:s31+$0x270]  }
0x478: {  	v32 =	vld [tilespmem:s31+$0xFFFFFC00]  }
0x479: {  	v33 =	vld [tilespmem:s31+$0xFFFFFC10]  }
0x47a: {  	v34 =	vld [tilespmem:s31+$0xFFFFFC20]  }
0x47b: {  	v35 =	vld [tilespmem:s31+$0xFFFFFC30]  }
0x47c: {  	v36 =	vld [tilespmem:s31+$0xFFFFFC40]  }
0x47d: {  	v37 =	vld [tilespmem:s31+$0xFFFFFC50]  }
0x47e: {  	v38 =	vld [tilespmem:s31+$0xFFFFFC60]  }
0x47f: {  	v39 =	vld [tilespmem:s31+$0xFFFFFC70]  }
0x480: {  	v40 =	vld [tilespmem:s31+$0xFFFFFE00]  }
0x481: {  	v41 =	vld [tilespmem:s31+$0xFFFFFE10]  }
0x482: {  	v42 =	vld [tilespmem:s31+$0xFFFFFE20]  }
0x483: {  	v45 =	vld [tilespmem:s31+$0xFFFFFE50]  }
0x484: {  	v46 =	vld [tilespmem:s31+$0xFFFFFE60]  }
0x485: {  	v47 =	vld [tilespmem:s31+$0xFFFFFE70]  }
0x486: {  	v48 =	vld [tilespmem:s31+$0x0]  }
0x487: {  	v49 =	vld [tilespmem:s31+$0x10]  }
0x488: {  	v50 =	vld [tilespmem:s31+$0x20]  }
0x489: {  	v51 =	vld [tilespmem:s31+$0x30]  }
0x48a: {  	v52 =	vld [tilespmem:s31+$0x40]  }
0x48b: {  	v53 =	vld [tilespmem:s31+$0x50]  }
0x48c: {  	v54 =	vld [tilespmem:s31+$0x60]  }
0x48d: {  	v55 =	vld [tilespmem:s31+$0x70]  }
0x48e: {  	v56 =	vld [tilespmem:s31+$0x200]  }
0x48f: {  	v57 =	vld [tilespmem:s31+$0x210]  }
0x490: {  	v58 =	vld [tilespmem:s31+$0x220]  }
0x491: {  	v59 =	vld [tilespmem:s31+$0x230]  }
0x492: {  	v60 =	vld [tilespmem:s31+$0x240]  }
0x493: {  	v61 =	vld [tilespmem:s31+$0x250]  }
0x494: {  	v62 =	vld [tilespmem:s31+$0x260]  }
0x495: {  	[tilespmem:v3+s23+$0x0] =	vst.idx.add.f32.msk $0xffff, v4  }
0x496: {  	v3 =	vld [tilespmem:s1+$0xFFFFFE30]  }
0x497: {  	v4 =	vld [tilespmem:s1+$0xFFFFFE40]  }
0x498: {  	[tilespmem:v31+s23+$0x0] =	vst.idx.add.f32.msk $0xffff, v32  }
0x499: {  	[tilespmem:v1+s23+$0x0] =	vst.idx.add.f32.msk $0xffff, v33  }
0x49a: {  	[tilespmem:v2+s23+$0x0] =	vst.idx.add.f32.msk $0xffff, v34  }
0x49b: {  	[tilespmem:v5+s23+$0x0] =	vst.idx.add.f32.msk $0xffff, v35  }
0x49c: {  	[tilespmem:v6+s23+$0x0] =	vst.idx.add.f32.msk $0xffff, v36  }
0x49d: {  	[tilespmem:v7+s23+$0x0] =	vst.idx.add.f32.msk $0xffff, v37  }
0x49e: {  	[tilespmem:v8+s23+$0x0] =	vst.idx.add.f32.msk $0xffff, v38  }
0x49f: {  	[tilespmem:v9+s23+$0x0] =	vst.idx.add.f32.msk $0xffff, v39  }
0x4a0: {  	[tilespmem:v10+s23+$0x0] =	vst.idx.add.f32.msk $0xffff, v40  }
0x4a1: {  	[tilespmem:v11+s23+$0x0] =	vst.idx.add.f32.msk $0xffff, v41  }
0x4a2: {  	[tilespmem:v12+s23+$0x0] =	vst.idx.add.f32.msk $0xffff, v42  }
0x4a3: {  	[tilespmem:v13+s23+$0x0] =	vst.idx.add.f32.msk $0xffff, v45  }
0x4a4: {  	[tilespmem:v14+s23+$0x0] =	vst.idx.add.f32.msk $0xffff, v46  }
0x4a5: {  	[tilespmem:v15+s23+$0x0] =	vst.idx.add.f32.msk $0xffff, v47  }
0x4a6: {  	[tilespmem:v16+s23+$0x0] =	vst.idx.add.f32.msk $0xffff, v48  }
0x4a7: {  	[tilespmem:v17+s23+$0x0] =	vst.idx.add.f32.msk $0xffff, v49  }
0x4a8: {  	[tilespmem:v18+s23+$0x0] =	vst.idx.add.f32.msk $0xffff, v50  }
0x4a9: {  	[tilespmem:v19+s23+$0x0] =	vst.idx.add.f32.msk $0xffff, v51  }
0x4aa: {  	[tilespmem:v20+s23+$0x0] =	vst.idx.add.f32.msk $0xffff, v52  }
0x4ab: {  	[tilespmem:v21+s23+$0x0] =	vst.idx.add.f32.msk $0xffff, v53  }
0x4ac: {  	[tilespmem:v22+s23+$0x0] =	vst.idx.add.f32.msk $0xffff, v54  }
0x4ad: {  	[tilespmem:v23+s23+$0x0] =	vst.idx.add.f32.msk $0xffff, v55  }
0x4ae: {  	[tilespmem:v24+s23+$0x0] =	vst.idx.add.f32.msk $0xffff, v56  }
0x4af: {  	[tilespmem:v25+s23+$0x0] =	vst.idx.add.f32.msk $0xffff, v57  }
0x4b0: {  	[tilespmem:v26+s23+$0x0] =	vst.idx.add.f32.msk $0xffff, v58  }
0x4b1: {  	[tilespmem:v27+s23+$0x0] =	vst.idx.add.f32.msk $0xffff, v59  }
0x4b2: {  	[tilespmem:v3+s22+$0x0] =	vst.idx.add.f32.msk $0xffff, v43  }
0x4b3: {  	[tilespmem:v4+s22+$0x0] =	vst.idx.add.f32.msk $0xffff, v44  }
0x4b4: {  	v43 =	vld [tilespmem:s31+$0xFFFFFE30]  }
0x4b5: {  	v44 =	vld [tilespmem:s31+$0xFFFFFE40]  }
0x4b6: {  	[tilespmem:v28+s23+$0x0] =	vst.idx.add.f32.msk $0xffff, v60  }
0x4b7: {  	[tilespmem:v29+s23+$0x0] =	vst.idx.add.f32.msk $0xffff, v61  }
0x4b8: {  	[tilespmem:v30+s23+$0x0] =	vst.idx.add.f32.msk $0xffff, v62  }
0x4b9: {  	s2 =	simm.s32 $0x0;
	[tilespmem:v3+s23+$0x0] =	vst.idx.add.f32.msk $0xffff, v43  }
0x4ba: {  	s28 =	simm.s32 $0xC080;
	s29 =	simm.s32 $0x8D80;
	s1 =	simm.s32 $0xC480;
	[tilespmem:v4+s23+$0x0] =	vst.idx.add.f32.msk $0xffff, v44  }
.LBB2_10:
0x4bb: {  	v1 =	vld [tilespmem:s29+$0x270];
	s2 =	sadd.s32 $0x20, s2  }
0x4bc: {  	v2 =	vld [tilespmem:s29+$0xFFFFFC10];
	p1 =	slt.u32 s2, $0xE0  }
0x4bd: {  	s0 =	sadd.s32 $0x800, s0;
	v3 =	vld [tilespmem:s29+$0xFFFFFC20]  }
0x4be: {  	v8 =	vld [tilespmem:s0+$0x270]  }
0x4bf: {  	v4 =	vld [tilespmem:s29+$0xFFFFFC30]  }
0x4c0: {  	v5 =	vld [tilespmem:s29+$0xFFFFFC40]  }
0x4c1: {  	v6 =	vld [tilespmem:s29+$0xFFFFFC50]  }
0x4c2: {  	v7 =	vld [tilespmem:s29+$0xFFFFFC60]  }
0x4c3: {  	s31 =	sadd.s32 $0x800, s31;
	[tilespmem:v1+s22+$0x0] =	vst.idx.add.f32.msk $0xffff, v8  }
0x4c4: {  	v12 =	vld [tilespmem:s31+$0x270]  }
0x4c5: {  	v8 =	vld [tilespmem:s29+$0xFFFFFC70]  }
0x4c6: {  	v9 =	vld [tilespmem:s29+$0xFFFFFE00]  }
0x4c7: {  	v10 =	vld [tilespmem:s29+$0xFFFFFE10]  }
0x4c8: {  	v11 =	vld [tilespmem:s29+$0xFFFFFE20]  }
0x4c9: {  	[tilespmem:v1+s23+$0x0] =	vst.idx.add.f32.msk $0xffff, v12;
	v1 =	vimm.f32 $0.0e+00  }
0x4ca: {  	v12 =	vld [tilespmem:s29+$0xFFFFFE30]  }
0x4cb: {  	v13 =	vld [tilespmem:s29+$0xFFFFFE40]  }
0x4cc: {  	v14 =	vld [tilespmem:s29+$0xFFFFFE50]  }
0x4cd: {  	v15 =	vld [tilespmem:s29+$0xFFFFFE60]  }
0x4ce: {  	v16 =	vld [tilespmem:s29+$0xFFFFFE70]  }
0x4cf: {  	v17 =	vld [tilespmem:s29+$0x0]  }
0x4d0: {  	v18 =	vld [tilespmem:s29+$0x10]  }
0x4d1: {  	v19 =	vld [tilespmem:s29+$0x20]  }
0x4d2: {  	v20 =	vld [tilespmem:s29+$0x30]  }
0x4d3: {  	v21 =	vld [tilespmem:s29+$0x40]  }
0x4d4: {  	v22 =	vld [tilespmem:s29+$0x50]  }
0x4d5: {  	v23 =	vld [tilespmem:s29+$0x60]  }
0x4d6: {  	v24 =	vld [tilespmem:s29+$0x70]  }
0x4d7: {  	v25 =	vld [tilespmem:s29+$0x200]  }
0x4d8: {  	v26 =	vld [tilespmem:s29+$0x210]  }
0x4d9: {  	v27 =	vld [tilespmem:s29+$0x220]  }
0x4da: {  	v28 =	vld [tilespmem:s29+$0x230]  }
0x4db: {  	v29 =	vld [tilespmem:s29+$0x240]  }
0x4dc: {  	v30 =	vld [tilespmem:s29+$0x250]  }
0x4dd: {  	v31 =	vld [tilespmem:s29+$0x260]  }
0x4de: {  	v32 =	vld [tilespmem:s29+$0xFFFFFC00]  }
0x4df: {  	v33 =	vld [tilespmem:s0+$0xFFFFFC00]  }
0x4e0: {  	v34 =	vld [tilespmem:s0+$0xFFFFFC10]  }
0x4e1: {  	v35 =	vld [tilespmem:s0+$0xFFFFFC20]  }
0x4e2: {  	v36 =	vld [tilespmem:s0+$0xFFFFFC30]  }
0x4e3: {  	v37 =	vld [tilespmem:s0+$0xFFFFFC40]  }
0x4e4: {  	v38 =	vld [tilespmem:s0+$0xFFFFFC50]  }
0x4e5: {  	v39 =	vld [tilespmem:s0+$0xFFFFFC60]  }
0x4e6: {  	v40 =	vld [tilespmem:s0+$0xFFFFFC70]  }
0x4e7: {  	v41 =	vld [tilespmem:s0+$0xFFFFFE00]  }
0x4e8: {  	v42 =	vld [tilespmem:s0+$0xFFFFFE10]  }
0x4e9: {  	v43 =	vld [tilespmem:s0+$0xFFFFFE20]  }
0x4ea: {  	v44 =	vld [tilespmem:s0+$0xFFFFFE30]  }
0x4eb: {  	v45 =	vld [tilespmem:s0+$0xFFFFFE40]  }
0x4ec: {  	v46 =	vld [tilespmem:s0+$0xFFFFFE50]  }
0x4ed: {  	v47 =	vld [tilespmem:s0+$0xFFFFFE60]  }
0x4ee: {  	v48 =	vld [tilespmem:s0+$0xFFFFFE70]  }
0x4ef: {  	v49 =	vld [tilespmem:s0+$0x0]  }
0x4f0: {  	v50 =	vld [tilespmem:s0+$0x10]  }
0x4f1: {  	v51 =	vld [tilespmem:s0+$0x20]  }
0x4f2: {  	v52 =	vld [tilespmem:s0+$0x30]  }
0x4f3: {  	v53 =	vld [tilespmem:s0+$0x40]  }
0x4f4: {  	v54 =	vld [tilespmem:s0+$0x50]  }
0x4f5: {  	v55 =	vld [tilespmem:s0+$0x60]  }
0x4f6: {  	v56 =	vld [tilespmem:s0+$0x70]  }
0x4f7: {  	v57 =	vld [tilespmem:s0+$0x200]  }
0x4f8: {  	v58 =	vld [tilespmem:s0+$0x210]  }
0x4f9: {  	v59 =	vld [tilespmem:s0+$0x220]  }
0x4fa: {  	v60 =	vld [tilespmem:s0+$0x230]  }
0x4fb: {  	v61 =	vld [tilespmem:s0+$0x240]  }
0x4fc: {  	v62 =	vld [tilespmem:s0+$0x250]  }
0x4fd: {  	v63 =	vld [tilespmem:s0+$0x260]  }
0x4fe: {  	[tilespmem:v32+s22+$0x0] =	vst.idx.add.f32.msk $0xffff, v33  }
0x4ff: {  	[tilespmem:v2+s22+$0x0] =	vst.idx.add.f32.msk $0xffff, v34  }
0x500: {  	[tilespmem:v3+s22+$0x0] =	vst.idx.add.f32.msk $0xffff, v35  }
0x501: {  	[tilespmem:v4+s22+$0x0] =	vst.idx.add.f32.msk $0xffff, v36  }
0x502: {  	[tilespmem:v5+s22+$0x0] =	vst.idx.add.f32.msk $0xffff, v37  }
0x503: {  	[tilespmem:v6+s22+$0x0] =	vst.idx.add.f32.msk $0xffff, v38  }
0x504: {  	[tilespmem:v7+s22+$0x0] =	vst.idx.add.f32.msk $0xffff, v39  }
0x505: {  	[tilespmem:v8+s22+$0x0] =	vst.idx.add.f32.msk $0xffff, v40  }
0x506: {  	[tilespmem:v9+s22+$0x0] =	vst.idx.add.f32.msk $0xffff, v41  }
0x507: {  	[tilespmem:v10+s22+$0x0] =	vst.idx.add.f32.msk $0xffff, v42  }
0x508: {  	[tilespmem:v11+s22+$0x0] =	vst.idx.add.f32.msk $0xffff, v43  }
0x509: {  	[tilespmem:v12+s22+$0x0] =	vst.idx.add.f32.msk $0xffff, v44  }
0x50a: {  	[tilespmem:v13+s22+$0x0] =	vst.idx.add.f32.msk $0xffff, v45  }
0x50b: {  	[tilespmem:v14+s22+$0x0] =	vst.idx.add.f32.msk $0xffff, v46  }
0x50c: {  	[tilespmem:v15+s22+$0x0] =	vst.idx.add.f32.msk $0xffff, v47  }
0x50d: {  	[tilespmem:v16+s22+$0x0] =	vst.idx.add.f32.msk $0xffff, v48  }
0x50e: {  	[tilespmem:v17+s22+$0x0] =	vst.idx.add.f32.msk $0xffff, v49  }
0x50f: {  	[tilespmem:v18+s22+$0x0] =	vst.idx.add.f32.msk $0xffff, v50  }
0x510: {  	[tilespmem:v19+s22+$0x0] =	vst.idx.add.f32.msk $0xffff, v51  }
0x511: {  	[tilespmem:v20+s22+$0x0] =	vst.idx.add.f32.msk $0xffff, v52  }
0x512: {  	[tilespmem:v21+s22+$0x0] =	vst.idx.add.f32.msk $0xffff, v53  }
0x513: {  	[tilespmem:v22+s22+$0x0] =	vst.idx.add.f32.msk $0xffff, v54  }
0x514: {  	[tilespmem:v23+s22+$0x0] =	vst.idx.add.f32.msk $0xffff, v55  }
0x515: {  	[tilespmem:v24+s22+$0x0] =	vst.idx.add.f32.msk $0xffff, v56  }
0x516: {  	[tilespmem:v25+s22+$0x0] =	vst.idx.add.f32.msk $0xffff, v57  }
0x517: {  	[tilespmem:v26+s22+$0x0] =	vst.idx.add.f32.msk $0xffff, v58  }
0x518: {  	[tilespmem:v27+s22+$0x0] =	vst.idx.add.f32.msk $0xffff, v59  }
0x519: {  	[tilespmem:v28+s22+$0x0] =	vst.idx.add.f32.msk $0xffff, v60  }
0x51a: {  	[tilespmem:v29+s22+$0x0] =	vst.idx.add.f32.msk $0xffff, v61  }
0x51b: {  	[tilespmem:v30+s22+$0x0] =	vst.idx.add.f32.msk $0xffff, v62  }
0x51c: {  	[tilespmem:v31+s22+$0x0] =	vst.idx.add.f32.msk $0xffff, v63  }
0x51d: {  	v33 =	vld [tilespmem:s31+$0xFFFFFC00]  }
0x51e: {  	v34 =	vld [tilespmem:s31+$0xFFFFFC10]  }
0x51f: {  	v35 =	vld [tilespmem:s31+$0xFFFFFC20]  }
0x520: {  	v36 =	vld [tilespmem:s31+$0xFFFFFC30]  }
0x521: {  	v37 =	vld [tilespmem:s31+$0xFFFFFC40]  }
0x522: {  	v38 =	vld [tilespmem:s31+$0xFFFFFC50]  }
0x523: {  	v39 =	vld [tilespmem:s31+$0xFFFFFC60]  }
0x524: {  	v40 =	vld [tilespmem:s31+$0xFFFFFC70]  }
0x525: {  	v41 =	vld [tilespmem:s31+$0xFFFFFE00]  }
0x526: {  	v42 =	vld [tilespmem:s31+$0xFFFFFE10]  }
0x527: {  	v43 =	vld [tilespmem:s31+$0xFFFFFE20]  }
0x528: {  	v44 =	vld [tilespmem:s31+$0xFFFFFE30]  }
0x529: {  	v45 =	vld [tilespmem:s31+$0xFFFFFE40]  }
0x52a: {  	v46 =	vld [tilespmem:s31+$0xFFFFFE50]  }
0x52b: {  	v47 =	vld [tilespmem:s31+$0xFFFFFE60]  }
0x52c: {  	v48 =	vld [tilespmem:s31+$0xFFFFFE70]  }
0x52d: {  	v49 =	vld [tilespmem:s31+$0x0]  }
0x52e: {  	v50 =	vld [tilespmem:s31+$0x10]  }
0x52f: {  	v51 =	vld [tilespmem:s31+$0x20]  }
0x530: {  	v52 =	vld [tilespmem:s31+$0x30]  }
0x531: {  	v53 =	vld [tilespmem:s31+$0x40]  }
0x532: {  	v54 =	vld [tilespmem:s31+$0x50]  }
0x533: {  	v55 =	vld [tilespmem:s31+$0x60]  }
0x534: {  	v56 =	vld [tilespmem:s31+$0x70]  }
0x535: {  	v57 =	vld [tilespmem:s31+$0x200]  }
0x536: {  	v58 =	vld [tilespmem:s31+$0x210]  }
0x537: {  	v59 =	vld [tilespmem:s31+$0x220]  }
0x538: {  	v60 =	vld [tilespmem:s31+$0x230]  }
0x539: {  	v61 =	vld [tilespmem:s31+$0x240]  }
0x53a: {  	v62 =	vld [tilespmem:s31+$0x250]  }
0x53b: {  	v63 =	vld [tilespmem:s31+$0x260]  }
0x53c: {  	[tilespmem:v32+s23+$0x0] =	vst.idx.add.f32.msk $0xffff, v33  }
0x53d: {  	[tilespmem:v2+s23+$0x0] =	vst.idx.add.f32.msk $0xffff, v34  }
0x53e: {  	[tilespmem:v3+s23+$0x0] =	vst.idx.add.f32.msk $0xffff, v35  }
0x53f: {  	[tilespmem:v4+s23+$0x0] =	vst.idx.add.f32.msk $0xffff, v36  }
0x540: {  	[tilespmem:v5+s23+$0x0] =	vst.idx.add.f32.msk $0xffff, v37  }
0x541: {  	[tilespmem:v6+s23+$0x0] =	vst.idx.add.f32.msk $0xffff, v38  }
0x542: {  	[tilespmem:v7+s23+$0x0] =	vst.idx.add.f32.msk $0xffff, v39  }
0x543: {  	[tilespmem:v8+s23+$0x0] =	vst.idx.add.f32.msk $0xffff, v40  }
0x544: {  	[tilespmem:v9+s23+$0x0] =	vst.idx.add.f32.msk $0xffff, v41  }
0x545: {  	[tilespmem:v10+s23+$0x0] =	vst.idx.add.f32.msk $0xffff, v42  }
0x546: {  	[tilespmem:v11+s23+$0x0] =	vst.idx.add.f32.msk $0xffff, v43  }
0x547: {  	[tilespmem:v12+s23+$0x0] =	vst.idx.add.f32.msk $0xffff, v44  }
0x548: {  	[tilespmem:v13+s23+$0x0] =	vst.idx.add.f32.msk $0xffff, v45  }
0x549: {  	[tilespmem:v14+s23+$0x0] =	vst.idx.add.f32.msk $0xffff, v46  }
0x54a: {  	[tilespmem:v15+s23+$0x0] =	vst.idx.add.f32.msk $0xffff, v47  }
0x54b: {  	[tilespmem:v16+s23+$0x0] =	vst.idx.add.f32.msk $0xffff, v48  }
0x54c: {  	[tilespmem:v17+s23+$0x0] =	vst.idx.add.f32.msk $0xffff, v49  }
0x54d: {  	[tilespmem:v18+s23+$0x0] =	vst.idx.add.f32.msk $0xffff, v50  }
0x54e: {  	[tilespmem:v19+s23+$0x0] =	vst.idx.add.f32.msk $0xffff, v51  }
0x54f: {  	[tilespmem:v20+s23+$0x0] =	vst.idx.add.f32.msk $0xffff, v52  }
0x550: {  	[tilespmem:v21+s23+$0x0] =	vst.idx.add.f32.msk $0xffff, v53  }
0x551: {  	[tilespmem:v22+s23+$0x0] =	vst.idx.add.f32.msk $0xffff, v54  }
0x552: {  	[tilespmem:v23+s23+$0x0] =	vst.idx.add.f32.msk $0xffff, v55  }
0x553: {  	[tilespmem:v24+s23+$0x0] =	vst.idx.add.f32.msk $0xffff, v56  }
0x554: {  	[tilespmem:v25+s23+$0x0] =	vst.idx.add.f32.msk $0xffff, v57  }
0x555: {  	[tilespmem:v26+s23+$0x0] =	vst.idx.add.f32.msk $0xffff, v58  }
.Ltmp6:
0x556: {  	[tilespmem:v27+s23+$0x0] =	vst.idx.add.f32.msk $0xffff, v59;
	(pc) =	sbr.rel @p1 .LBB2_10-.Ltmp6, $4  }
0x557: {  	[tilespmem:v28+s23+$0x0] =	vst.idx.add.f32.msk $0xffff, v60  }
0x558: {  	[tilespmem:v29+s23+$0x0] =	vst.idx.add.f32.msk $0xffff, v61  }
0x559: {  	[tilespmem:v30+s23+$0x0] =	vst.idx.add.f32.msk $0xffff, v62  }
0x55a: {  	s29 =	sadd.s32 $0x800, s29;
	[tilespmem:v31+s23+$0x0] =	vst.idx.add.f32.msk $0xffff, v63  }
0x55b: {  	v2 =	vld [tilespmem:s1+$0x70]  }
0x55c: {  	v3 =	vld [tilespmem:s1+$0x60]  }
0x55d: {  	v4 =	vld [tilespmem:s1+$0x50]  }
0x55e: {  	v6 =	vld [tilespmem:s1+$0x40]  }
0x55f: {  	v5 =	vld [tilespmem:s1+$0x30]  }
0x560: {  	v7 =	vld [tilespmem:s1+$0x20]  }
0x561: {  	v8 =	vld [tilespmem:s1+$0x10]  }
0x562: {  	v9 =	vld [tilespmem:s1+$0x0]  }
0x563: {  	v10 =	vld [tilespmem:s1+$0xFFFFFFF0]  }
0x564: {  	v13 =	vld [tilespmem:s1+$0xFFFFFFE0]  }
0x565: {  	v12 =	vld [tilespmem:s1+$0xFFFFFFD0]  }
0x566: {  	v11 =	vld [tilespmem:s1+$0xFFFFFFC0]  }
0x567: {  	v14 =	vld [tilespmem:s1+$0xFFFFFFB0]  }
0x568: {  	v15 =	vld [tilespmem:s28+$0xFFFFFF80]  }
0x569: {  	v16 =	vld [tilespmem:s1+$0xFFFFFF80]  }
0x56a: {  	v17 =	vld [tilespmem:s28+$0xFFFFFF90]  }
0x56b: {  	v18 =	vld [tilespmem:s1+$0xFFFFFF90];
	vm1 =	vgt.f32 v2, $0.0e+00;
	vm2 =	vgt.f32 v3, $0.0e+00  }
0x56c: {  	v19 =	vld [tilespmem:s1+$0xFFFFFFA0];
	vm5 =	vgt.f32 v5, $0.0e+00;
	vm4 =	vgt.f32 v6, $0.0e+00;
	vm3 =	vgt.f32 v4, $0.0e+00  }
0x56d: {  	v20 =	vld [tilespmem:s28+$0xFFFFFFA0];
	vm8 =	vgt.f32 v9, $0.0e+00;
	vm7 =	vgt.f32 v8, $0.0e+00;
	vm6 =	vgt.f32 v7, $0.0e+00  }
0x56e: {  	v15 =	vsub.f32 v15, v16;
	vm10 =	vgt.f32 v13, $0.0e+00;
	vm9 =	vgt.f32 v10, $0.0e+00  }
0x56f: {  	vm13 =	vgt.f32 v16, $0.0e+00;
	v16 =	vld [tilespmem:s28+$0xFFFFFFB0];
	vm12 =	vgt.f32 v11, $0.0e+00;
	vm11 =	vgt.f32 v12, $0.0e+00  }
0x570: {  	v17 =	vsub.f32 v17, v18;
	vm14 =	vgt.f32 v14, $0.0e+00;
	v15 =	vnsel vm13, $0x0, v15  }
0x571: {  	vm15 =	vgt.f32 v18, $0.0e+00;
	vm0 =	vgt.f32 v19, $0.0e+00;
	v18 =	vld [tilespmem:s28+$0xFFFFFFC0];
	v15 =	vmul.f32 v15, v15  }
0x572: {  	v19 =	vsub.f32 v20, v19;
	v21 =	vsel vm13, $0x3F800000, v0;
	v17 =	vnsel vm15, $0x0, v17  }
0x573: {  	v61 =	vld [tilespmem:s28+$0xFFFFFFD0];
	v17 =	vmul.f32 v17, v17;
	v15 =	vadd.f32 v15, v1;
	v1 =	vadd.f32 v21, v1  }
0x574: {  	v62 =	vsel vm15, $0x3F800000, v0;
	v19 =	vnsel vm0, $0x0, v19;
	v14 =	vsub.f32 v16, v14  }
0x575: {  	v16 =	vmul.f32 v19, v19;
	v15 =	vadd.f32 v17, v15;
	v1 =	vadd.f32 v62, v1;
	v17 =	vld [tilespmem:s28+$0xFFFFFFE0]  }
0x576: {  	v19 =	vsel vm0, $0x3F800000, v0;
	v18 =	vsub.f32 v18, v11;
	v14 =	vnsel vm14, $0x0, v14  }
0x577: {  	v11 =	vld [tilespmem:s28+$0xFFFFFFF0];
	v14 =	vmul.f32 v14, v14;
	v15 =	vadd.f32 v16, v15;
	v1 =	vadd.f32 v19, v1  }
0x578: {  	v18 =	vnsel vm12, $0x0, v18;
	v16 =	vsel vm14, $0x3F800000, v0;
	v19 =	vsub.f32 v61, v12  }
0x579: {  	v12 =	vld [tilespmem:s28+$0x0];
	v14 =	vadd.f32 v14, v15;
	v63 =	vadd.f32 v16, v1;
	v16 =	vmul.f32 v18, v18  }
0x57a: {  	v18 =	vsel vm12, $0x3F800000, v0;
	v19 =	vnsel vm11, $0x0, v19;
	v1 =	vld [tilespmem:s28+$0x70];
	v15 =	vsub.f32 v17, v13  }
0x57b: {  	s0 =	simm.s32 $0x0;
	s1 =	simm.s32 $0xC580;
	v17 =	vmul.f32 v19, v19;
	v13 =	vld [tilespmem:s28+$0x10];
	v16 =	vadd.f32 v16, v14;
	v14 =	vadd.f32 v18, v63  }
.LBB2_12:
0x57c: {  	v18 =	vld [tilespmem:s1+$0x70];
	v19 =	vsel vm11, $0x3F800000, v0;
	v15 =	vnsel vm10, $0x0, v15;
	v10 =	vsub.f32 v11, v10  }
0x57d: {  	v11 =	vadd.f32 v17, v16;
	v14 =	vadd.f32 v19, v14;
	v15 =	vmul.f32 v15, v15;
	v16 =	vld [tilespmem:s28+$0x20]  }
0x57e: {  	v17 =	vsel vm10, $0x3F800000, v0;
	v10 =	vnsel vm9, $0x0, v10;
	v9 =	vsub.f32 v12, v9;
	v12 =	vld [tilespmem:s28+$0x60]  }
0x57f: {  	v11 =	vadd.f32 v15, v11;
	v14 =	vadd.f32 v17, v14;
	v10 =	vmul.f32 v10, v10;
	v15 =	vld [tilespmem:s28+$0x30]  }
0x580: {  	v19 =	vsel vm9, $0x3F800000, v0;
	v17 =	vld [tilespmem:s1+$0x60];
	v9 =	vnsel vm8, $0x0, v9;
	v8 =	vsub.f32 v13, v8  }
0x581: {  	v10 =	vadd.f32 v10, v11;
	v11 =	vadd.f32 v19, v14;
	v9 =	vmul.f32 v9, v9;
	v13 =	vld [tilespmem:s28+$0x40]  }
0x582: {  	v14 =	vsel vm8, $0x3F800000, v0;
	v8 =	vnsel vm7, $0x0, v8;
	v7 =	vsub.f32 v16, v7;
	v16 =	vld [tilespmem:s28+$0x50]  }
0x583: {  	v19 =	vld [tilespmem:s1+$0x50];
	v9 =	vadd.f32 v9, v10;
	v10 =	vadd.f32 v14, v11;
	v8 =	vmul.f32 v8, v8  }
0x584: {  	v14 =	vsel vm7, $0x3F800000, v0;
	v11 =	vld [tilespmem:s1+$0x40];
	v7 =	vnsel vm6, $0x0, v7;
	v15 =	vsub.f32 v15, v5  }
0x585: {  	v5 =	vld [tilespmem:s1+$0x30];
	v9 =	vadd.f32 v8, v9;
	v10 =	vadd.f32 v14, v10;
	v14 =	vmul.f32 v7, v7  }
0x586: {  	v20 =	vsel vm6, $0x3F800000, v0;
	v7 =	vld [tilespmem:s1+$0x20];
	v15 =	vnsel vm5, $0x0, v15;
	v22 =	vsub.f32 v13, v6  }
0x587: {  	v8 =	vld [tilespmem:s1+$0x10];
	v13 =	vadd.f32 v14, v9;
	v14 =	vadd.f32 v20, v10;
	v15 =	vmul.f32 v15, v15  }
0x588: {  	v20 =	vsel vm5, $0x3F800000, v0;
	v16 =	vsub.f32 v16, v4;
	v9 =	vld [tilespmem:s1+$0x0];
	v21 =	vnsel vm4, $0x0, v22;
	v4 =	vmovc v19  }
0x589: {  	v10 =	vld [tilespmem:s1+$0xFFFFFFF0];
	v13 =	vadd.f32 v15, v13;
	v14 =	vadd.f32 v20, v14;
	v15 =	vmul.f32 v21, v21;
	v6 =	vmovc v11  }
0x58a: {  	v12 =	vsub.f32 v12, v3;
	v3 =	vmovc v17;
	v11 =	vsel vm4, $0x3F800000, v0;
	v16 =	vnsel vm3, $0x0, v16;
	v19 =	vld [tilespmem:s1+$0xFFFFFFE0]  }
0x58b: {  	v17 =	vld [tilespmem:s1+$0xFFFFFFD0];
	v13 =	vadd.f32 v15, v13;
	v11 =	vadd.f32 v11, v14;
	v14 =	vmul.f32 v16, v16  }
0x58c: {  	v1 =	vsub.f32 v1, v2;
	v2 =	vmovc v18;
	v12 =	vnsel vm2, $0x0, v12;
	v16 =	vsel vm3, $0x3F800000, v0;
	v15 =	vld [tilespmem:s1+$0xFFFFFFC0]  }
0x58d: {  	s28 =	sadd.s32 $0x100, s28;
	v12 =	vmul.f32 v12, v12;
	v18 =	vld [tilespmem:s1+$0xFFFFFFB0];
	v13 =	vadd.f32 v14, v13;
	v11 =	vadd.f32 v16, v11  }
0x58e: {  	v1 =	vnsel vm1, $0x0, v1;
	v16 =	vsel vm2, $0x3F800000, v0;
	v14 =	vld [tilespmem:s28+$0xFFFFFF80]  }
0x58f: {  	s0 =	sadd.s32 $0x10, s0;
	v1 =	vmul.f32 v1, v1;
	v20 =	vld [tilespmem:s1+$0xFFFFFF80];
	v12 =	vadd.f32 v12, v13;
	v11 =	vadd.f32 v16, v11  }
0x590: {  	p1 =	slt.u32 s0, $0x30;
	v16 =	vsel vm1, $0x3F800000, v0;
	vm1 =	vgt.f32 v2, $0.0e+00;
	v13 =	vld [tilespmem:s28+$0xFFFFFF90]  }
0x591: {  	vm2 =	vgt.f32 v3, $0.0e+00;
	v21 =	vld [tilespmem:s1+$0xFFFFFF90];
	v1 =	vadd.f32 v1, v12;
	v11 =	vadd.f32 v16, v11  }
0x592: {  	vm5 =	vgt.f32 v5, $0.0e+00;
	vm4 =	vgt.f32 v6, $0.0e+00;
	vm3 =	vgt.f32 v4, $0.0e+00;
	v12 =	vld [tilespmem:s1+$0xFFFFFFA0]  }
0x593: {  	vm6 =	vgt.f32 v7, $0.0e+00;
	vm7 =	vgt.f32 v8, $0.0e+00;
	vm8 =	vgt.f32 v9, $0.0e+00;
	v16 =	vld [tilespmem:s28+$0xFFFFFFA0]  }
0x594: {  	vm9 =	vgt.f32 v10, $0.0e+00;
	vm10 =	vgt.f32 v19, $0.0e+00;
	v14 =	vsub.f32 v14, v20  }
0x595: {  	vm11 =	vgt.f32 v17, $0.0e+00;
	vm12 =	vgt.f32 v15, $0.0e+00;
	vm0 =	vgt.f32 v20, $0.0e+00;
	v20 =	vld [tilespmem:s28+$0xFFFFFFB0]  }
0x596: {  	vm13 =	vgt.f32 v18, $0.0e+00;
	v14 =	vnsel vm0, $0x0, v14;
	v13 =	vsub.f32 v13, v21  }
0x597: {  	vm14 =	vgt.f32 v21, $0.0e+00;
	v14 =	vmul.f32 v14, v14;
	vm15 =	vgt.f32 v12, $0.0e+00;
	v21 =	vld [tilespmem:s28+$0xFFFFFFC0]  }
0x598: {  	v22 =	vsel vm0, $0x3F800000, v0;
	v13 =	vnsel vm14, $0x0, v13;
	v12 =	vsub.f32 v16, v12  }
0x599: {  	v11 =	vadd.f32 v22, v11;
	v1 =	vadd.f32 v14, v1;
	v13 =	vmul.f32 v13, v13;
	v14 =	vld [tilespmem:s28+$0xFFFFFFD0]  }
0x59a: {  	v16 =	vsel vm14, $0x3F800000, v0;
	v12 =	vnsel vm15, $0x0, v12;
	v18 =	vsub.f32 v20, v18  }
0x59b: {  	v11 =	vadd.f32 v16, v11;
	v1 =	vadd.f32 v13, v1;
	v12 =	vmul.f32 v12, v12;
	v13 =	vld [tilespmem:s28+$0xFFFFFFE0]  }
0x59c: {  	v16 =	vsel vm15, $0x3F800000, v0;
	v18 =	vnsel vm13, $0x0, v18;
	v15 =	vsub.f32 v21, v15  }
.Ltmp7:
0x59d: {  	v1 =	vadd.f32 v12, v1;
	v12 =	vadd.f32 v16, v11;
	v16 =	vmul.f32 v18, v18;
	v11 =	vld [tilespmem:s28+$0xFFFFFFF0];
	(pc) =	sbr.rel @p1 .LBB2_12-.Ltmp7, $4  }
0x59e: {  	v18 =	vsel vm13, $0x3F800000, v0;
	v15 =	vnsel vm12, $0x0, v15;
	v14 =	vsub.f32 v14, v17  }
0x59f: {  	v16 =	vadd.f32 v16, v1;
	v17 =	vadd.f32 v18, v12;
	v18 =	vmul.f32 v15, v15;
	v12 =	vld [tilespmem:s28+$0x0]  }
0x5a0: {  	v20 =	vsel vm12, $0x3F800000, v0;
	v21 =	vnsel vm11, $0x0, v14;
	v15 =	vsub.f32 v13, v19;
	v1 =	vld [tilespmem:s28+$0x70]  }
0x5a1: {  	s1 =	sadd.s32 $0x100, s1;
	v16 =	vadd.f32 v18, v16;
	v14 =	vadd.f32 v20, v17;
	v17 =	vmul.f32 v21, v21;
	v13 =	vld [tilespmem:s28+$0x10]  }
0x5a2: {  	v15 =	vnsel vm10, $0x0, v15;
	v10 =	vsub.f32 v11, v10  }
0x5a3: {  	v43 =	vsel vm11, $0x3F800000, v0;
	v44 =	vld [tilespmem:s28+$0x20];
	v16 =	vadd.f32 v17, v16;
	v15 =	vmul.f32 v15, v15  }
0x5a4: {  	v11 =	vadd.f32 v43, v14;
	v10 =	vnsel vm9, $0x0, v10;
	v9 =	vsub.f32 v12, v9  }
0x5a5: {  	v45 =	vsel vm10, $0x3F800000, v0;
	v47 =	vld [tilespmem:s28+$0x30];
	v46 =	vadd.f32 v15, v16;
	v10 =	vmul.f32 v10, v10  }
0x5a6: {  	v11 =	vadd.f32 v45, v11;
	v9 =	vnsel vm8, $0x0, v9;
	v8 =	vsub.f32 v13, v8  }
0x5a7: {  	v48 =	vsel vm9, $0x3F800000, v0;
	v49 =	vld [tilespmem:s28+$0x40];
	v10 =	vadd.f32 v10, v46;
	v9 =	vmul.f32 v9, v9  }
0x5a8: {  	v11 =	vadd.f32 v48, v11;
	v7 =	vsub.f32 v44, v7;
	v8 =	vnsel vm7, $0x0, v8  }
0x5a9: {  	v50 =	vsel vm8, $0x3F800000, v0;
	v51 =	vld [tilespmem:s28+$0x50];
	v9 =	vadd.f32 v9, v10;
	v8 =	vmul.f32 v8, v8  }
0x5aa: {  	v5 =	vsub.f32 v47, v5;
	v52 =	vadd.f32 v50, v11;
	v7 =	vnsel vm6, $0x0, v7  }
0x5ab: {  	v53 =	vld [tilespmem:s28+$0x60];
	v54 =	vsel vm7, $0x3F800000, v0;
	v7 =	vmul.f32 v7, v7;
	v8 =	vadd.f32 v8, v9  }
0x5ac: {  	v6 =	vsub.f32 v49, v6;
	v5 =	vnsel vm5, $0x0, v5;
	v55 =	vadd.f32 v54, v52  }
0x5ad: {  	v56 =	vsel vm6, $0x3F800000, v0;
	v5 =	vmul.f32 v5, v5;
	v7 =	vadd.f32 v7, v8  }
0x5ae: {  	v4 =	vsub.f32 v51, v4;
	v6 =	vnsel vm4, $0x0, v6;
	v57 =	vadd.f32 v56, v55  }
0x5af: {  	v58 =	vsel vm5, $0x3F800000, v0;
	v6 =	vmul.f32 v6, v6;
	v5 =	vadd.f32 v5, v7  }
0x5b0: {  	v3 =	vsub.f32 v53, v3;
	v4 =	vnsel vm3, $0x0, v4;
	v59 =	vadd.f32 v58, v57  }
0x5b1: {  	v60 =	vsel vm4, $0x3F800000, v0;
	v4 =	vmul.f32 v4, v4;
	v5 =	vadd.f32 v6, v5  }
0x5b2: {  	v1 =	vsub.f32 v1, v2;
	v3 =	vnsel vm2, $0x0, v3;
	v61 =	vadd.f32 v60, v59  }
0x5b3: {  	v2 =	vsel vm3, $0x3F800000, v0;
	v3 =	vmul.f32 v3, v3;
	v4 =	vadd.f32 v4, v5  }
0x5b4: {  	v1 =	vnsel vm1, $0x0, v1;
	v2 =	vadd.f32 v2, v61  }
0x5b5: {  	v62 =	vsel vm2, $0x3F800000, v0;
	v1 =	vmul.f32 v1, v1;
	v3 =	vadd.f32 v3, v4  }
0x5b6: {  	v2 =	vadd.f32 v62, v2  }
0x5b7: {  	v63 =	vsel vm1, $0x3F800000, v0;
	v1 =	vadd.f32 v1, v3  }
0x5b8: {  	v2 =	vadd.f32 v63, v2  }
0x5b9: {  	[tilespmem:$0xC800] =	vst v1  }
0x5ba: {  	[tilespmem:$0xC880] =	vst v2  }
0x5bb: {  	[spmem:s7] =	stream.linear.scatter [tilespmem:s24], [sflag:$0x2], $0x10, $0x38;
	[tilespmem:$0xCB20] =	vst v63  }
0x5bc: {  	_ =	swait.ge [sflag:s25], $0x10  }
0x5bd: {  	[sflag:s25] =	ssyncset.done $0x0  }
0x5be: {  	[sflag:s25] =	ssyncadd.s32 $0xFFFFFFF0  }
0x5bf: {  	[spmem:s8] =	stream.linear.scatter [tilespmem:s26], [sflag:$0x2], $0x10, $0x38;
	[tilespmem:$0xCB20] =	vst v63  }
.Ltmp8:
0x5c0: {  	_ =	swait.ge [sflag:s25], $0x10;
	(pc) =	sbr.rel @p0 .LBB2_17-.Ltmp8, $3  }
0x5c1: {  	[sflag:s25] =	ssyncset.done $0x0  }
0x5c2: {  	[sflag:s25] =	ssyncadd.s32 $0xFFFFFFF0  }
0x5c3: {  	[bflag:$0x0] =	sbarrier.arrive $0xFFFF;
	_ =	sdelay $0x1  }
0x5c4: {  	s0 =	rddreg [dreg:$0x4];
	s1 =	simm.s32 $0xC900  }
0x5c5: {  	[tilespmem:s1], [sflag:$0x2] =	stream.linear.gather [spmem:s0], $0x100, $0x38;
	[tilespmem:$0xCB20] =	vst v63  }
0x5c6: {  	_ =	swait.ge [sflag:s25], $0x100  }
0x5c7: {  	[sflag:s25] =	ssyncset.done $0x0  }
0x5c8: {  	[sflag:s25] =	ssyncadd.s32 $0xFFFFFF00  }
0x5c9: {  	s29 =	simm.s32 $0xCA00;
	s28 =	rddreg [dreg:$0x5]  }
0x5ca: {  	[tilespmem:s29], [sflag:$0x2] =	stream.linear.gather [spmem:s28], $0x100, $0x38;
	[tilespmem:$0xCB20] =	vst v63  }
0x5cb: {  	_ =	swait.ge [sflag:s25], $0x100  }
0x5cc: {  	[sflag:s25] =	ssyncset.done $0x0  }
0x5cd: {  	s31 =	simm.s32 $0xCA20;
	[sflag:s25] =	ssyncadd.s32 $0xFFFFFF00  }
0x5ce: {  	s0 =	simm.s32 $0xC920;
	v6 =	vld [tilespmem:s31+$0xFFFFFFE0]  }
0x5cf: {  	v7 =	vld [tilespmem:s0+$0xFFFFFFE0]  }
0x5d0: {  	v2 =	vld [tilespmem:s31+$0xFFFFFFF0]  }
0x5d1: {  	v5 =	vld [tilespmem:s0+$0xFFFFFFF0]  }
0x5d2: {  	v1 =	vld [tilespmem:s31+$0x0]  }
0x5d3: {  	v8 =	vimm.f32 $0.0e+00;
	v4 =	vld [tilespmem:s0+$0x0]  }
0x5d4: {  	v3 =	vld [tilespmem:s31+$0x10];
	v7 =	vadd.f32 v7, v8;
	v8 =	vadd.f32 v6, v8  }
0x5d5: {  	s2 =	simm.s32 $0xCA60;
	s1 =	simm.s32 $0x0;
	v6 =	vld [tilespmem:s0+$0x10]  }
.LBB2_15:
0x5d6: {  	v9 =	vld [tilespmem:s2+$0xFFFFFFE0];
	v5 =	vadd.f32 v5, v7;
	v7 =	vadd.f32 v2, v8;
	s0 =	sadd.s32 $0x40, s0  }
0x5d7: {  	s1 =	sadd.s32 $0x4, s1;
	v8 =	vld [tilespmem:s0+$0xFFFFFFE0]  }
0x5d8: {  	p1 =	slt.u32 s1, $0xC;
	v2 =	vld [tilespmem:s2+$0xFFFFFFF0];
	v4 =	vadd.f32 v4, v5;
	v7 =	vadd.f32 v1, v7  }
.Ltmp9:
0x5d9: {  	v5 =	vld [tilespmem:s0+$0xFFFFFFF0];
	(pc) =	sbr.rel @p1 .LBB2_15-.Ltmp9, $4  }
0x5da: {  	v1 =	vld [tilespmem:s2+$0x0];
	v6 =	vadd.f32 v6, v4;
	v3 =	vadd.f32 v3, v7  }
0x5db: {  	v4 =	vld [tilespmem:s0+$0x0]  }
0x5dc: {  	v7 =	vadd.f32 v8, v6;
	v8 =	vadd.f32 v9, v3;
	v3 =	vld [tilespmem:s2+$0x10]  }
0x5dd: {  	s2 =	sadd.s32 $0x40, s2;
	v6 =	vld [tilespmem:s0+$0x10]  }
.Ltmp10:
0x5de: {  	_ = 	snop;
	(pc) =	sbr.rel .LBB2_16-.Ltmp10, $1  }
0x5df: {  	_ =	sdelay $0x3  }
.LBB2_18:
0x5e0: {  	_ =	sfence.sel $0x180000  }
0x5e1: {  	[bflag:$0x0] =	sbarrier.arrive $0xFFFF  }
0x5e2: {  	_ =	strace $0x90000047  }
0x5e3: {  	[bflag:$0x2] =	sbarrier.arrive $0xFFFF  }
0x5e4: {  	s0 =	rddreg [dreg:$0x6]  }
0x5e5: {  	s0 =	sadd.s32 @!p0 $0x100000, s0  }
0x5e6: {  	[sflag:s0] =	ssyncadd.tile.s32 @!p0 $0x1;
	_ =	shalt  }
.Lfunc_end2:
_tile_overlayer_lowered:
.L_overlay_start_2:
0x5e7: {  	(tag) =	ssettag $0x2  }
0x5e8: {  	s0 =	rddreg [dreg:$0x0];
	s2 =	stileid.u32  }
0x5e9: {  	s1 =	rddreg [dreg:$0x1];
	p0 =	sne.s32 s2, $0x0  }
0x5ea: {  	s3 =	rddreg [dreg:$0x2];
	[bflag:$0x3] =	sbarrier.arrive $0xFFFF;
	s2 =	simm.s32 @!p0 $0x1C02  }
0x5eb: {  	[timem:s3], [sflag:s2] =	dma.local @!p0 [hbm:s0], s1  }
0x5ec: {  	s0 =	simm.s32 @!p0 $0x2  }
0x5ed: {  	_ =	swait.ge @!p0 [sflag:s0], s1  }
0x5ee: {  	s1 =	ssub.s32 @!p0 $0x0, s1;
	[sflag:s0] =	ssyncset.done @!p0 $0x0  }
0x5ef: {  	[sflag:s0] =	ssyncadd.s32 @!p0 s1  }
0x5f0: {  	[bflag:$0x3] =	sbarrier.arrive $0xFFFF  }
0x5f1: {  	_ =	shalt  }

</sc_bundles>
